<compile_context>
chip_gen: v7x
topology: tpu7x:2x2x1
jax: 0.10.2.dev20260603
libtpu: 0.0.44.dev20260713+nightly
codegen_flags: <defaults>
</compile_context>

<pallas_src>
import functools

import jax
import jax.numpy as jnp
from jax import lax
from jax.experimental import pallas as pl
from jax.experimental.pallas import tpu as pltpu
from jax.experimental.pallas import tpu_sc as plsc

B, L = 16384, 2048
LEDS_NUM = 1024

NC, NS, LANES = 2, 16, 16
NW = NC * NS

ROWS_W = B // NW
R = 8
STEPS = ROWS_W // R


def _make_sc_call():
    mesh = plsc.VectorSubcoreMesh(core_axis_name="c", subcore_axis_name="s")

    @functools.partial(
        pl.kernel,
        mesh=mesh,
        out_type=jax.ShapeDtypeStruct((B, L), jnp.float32),
        scratch_types=[
            pltpu.VMEM((LEDS_NUM,), jnp.float32),
            [pltpu.VMEM((R, L), jnp.float32)] * 2,
            [pltpu.VMEM((R, L), jnp.int32)] * 2,
            [pltpu.VMEM((R, L), jnp.float32)] * 2,
            [pltpu.SemaphoreType.DMA] * 2,
            [pltpu.SemaphoreType.DMA] * 2,
            [pltpu.SemaphoreType.DMA] * 2,
        ],
        compiler_params=pltpu.CompilerParams(needs_layout_passes=False),
    )
    def sc_kernel(x_hbm, idx_hbm, coeff_hbm, out_hbm,
                  table_v, x_v, idx_v, out_v, sx, si, so):
        wid = lax.axis_index("c") * NS + lax.axis_index("s")

        def start_in(step, b):
            row = (step * NW + wid) * R
            pltpu.async_copy(x_hbm.at[pl.ds(row, R)], x_v[b], sx[b])
            pltpu.async_copy(idx_hbm.at[pl.ds(row, R)], idx_v[b], si[b])

        def wait_in(step, b):
            row = (step * NW + wid) * R
            pltpu.make_async_copy(x_hbm.at[pl.ds(row, R)], x_v[b], sx[b]).wait()
            pltpu.make_async_copy(idx_hbm.at[pl.ds(row, R)], idx_v[b], si[b]).wait()

        def start_out(step, b):
            row = (step * NW + wid) * R
            pltpu.async_copy(out_v[b], out_hbm.at[pl.ds(row, R)], so[b])

        def wait_out(step, b):
            row = (step * NW + wid) * R
            pltpu.make_async_copy(out_v[b], out_hbm.at[pl.ds(row, R)], so[b]).wait()

        def compute(b):
            @plsc.parallel_loop(0, L, step=LANES, unroll=4)
            def _(e):
                sl = pl.ds(e, LANES)
                for r in range(R):
                    c = plsc.load_gather(table_v, [idx_v[b][r, sl]])
                    out_v[b][r, sl] = x_v[b][r, sl] * c

        start_in(0, 0)
        start_in(1, 1)
        pltpu.sync_copy(coeff_hbm, table_v)

        def pair(p, _):
            for b in range(2):
                s = 2 * p + b
                wait_in(s, b)

                @pl.when(p >= 1)
                def _():
                    wait_out(s - 2, b)

                compute(b)
                start_out(s, b)

                @pl.when(s + 2 < STEPS)
                def _():
                    start_in(s + 2, b)
            return 0

        lax.fori_loop(0, STEPS // 2, pair, 0)
        wait_out(STEPS - 2, 0)
        wait_out(STEPS - 1, 1)

    return sc_kernel


_sc_call = _make_sc_call()


@jax.jit
def kernel(x, idx, coeff):
    return _sc_call(x, idx.astype(jnp.int32), coeff)

# --- scband reference (transcript-rebuilt; emitter-appended) ---
"""Pipeline reference for scband-light-correction-layer-23519240913160 (READ-ONLY COPY).

The authoritative reference and input builder live on the scoring server;
editing this copy changes nothing except your own understanding.
"""

import jax, jax.numpy as jnp
import numpy as np

LEDS_NUM = 1024
B, L = 16384, 2048

def setup_inputs(seed: int = 0) -> dict:
    key = jax.random.key(seed)
    k1, k2 = jax.random.split(key, 2)
    x = jax.random.normal(k1, (B, L), dtype=jnp.float32)
    idx = jax.random.randint(k2, (B, L), 0, LEDS_NUM, dtype=jnp.int64)
    # learned parameter: per-LED correction coefficient, initialized to ones
    coeff = jnp.ones((LEDS_NUM,), dtype=jnp.float32)
    return {"x": x, "idx": idx, "coeff": coeff}

def reference(x, idx, coeff):
    # LightCorrectionLayer.forward: x * self.coeff[idx]
    return x * jnp.take(coeff, idx, axis=0)

if __name__ == "__main__":
    import jax
    _d = setup_inputs()
    print(jax.jit(kernel)(*tuple(_d.values())))

</pallas_src>

<mosaic_0001>
#map = affine_map<(d0, d1) -> (0, 0)>
#map1 = affine_map<(d0, d1) -> (0)>
module attributes {stable_mosaic.version = 14 : i64} {
  func.func @sc_kernel(%arg0: i32, %arg1: i32, %arg2: memref<16384x2048xf32, #tpu.memory_space<hbm>>, %arg3: memref<16384x2048xi32, #tpu.memory_space<hbm>>, %arg4: memref<1024xf32, #tpu.memory_space<hbm>>, %arg5: memref<16384x2048xf32, #tpu.memory_space<hbm>>, %arg6: memref<1024xf32, #tpu.memory_space<vmem>>, %arg7: memref<8x2048xf32, #tpu.memory_space<vmem>>, %arg8: memref<8x2048xf32, #tpu.memory_space<vmem>>, %arg9: memref<8x2048xi32, #tpu.memory_space<vmem>>, %arg10: memref<8x2048xi32, #tpu.memory_space<vmem>>, %arg11: memref<8x2048xf32, #tpu.memory_space<vmem>>, %arg12: memref<8x2048xf32, #tpu.memory_space<vmem>>, %arg13: memref<!tpu.dma_semaphore, #tpu.memory_space<semaphore_mem>>, %arg14: memref<!tpu.dma_semaphore, #tpu.memory_space<semaphore_mem>>, %arg15: memref<!tpu.dma_semaphore, #tpu.memory_space<semaphore_mem>>, %arg16: memref<!tpu.dma_semaphore, #tpu.memory_space<semaphore_mem>>, %arg17: memref<!tpu.dma_semaphore, #tpu.memory_space<semaphore_mem>>, %arg18: memref<!tpu.dma_semaphore, #tpu.memory_space<semaphore_mem>>) attributes {dimension_semantics = [#tpu.dimension_semantics<core_parallel>, #tpu.dimension_semantics<subcore_parallel>], iteration_bounds = array<i64: 2, 16>, scalar_prefetch = 0 : i64, scratch_operands = 13 : i64, tpu.core_type = #tpu.core_type<sc_vector_subcore>, window_params = [{transform_indices = #map}, {transform_indices = #map}, {transform_indices = #map1}, {transform_indices = #map}]} {
    %mul3A = arith.constant 16 : i32
    %mul3A_0 = arith.muli %arg0, %mul3A : i32
    %add3A = arith.addi %mul3A_0, %arg1 : i32
    %add3A_1 = arith.constant 0 : i32
    %add3A_2 = arith.addi %add3A_1, %add3A : i32
    %mul3A_3 = arith.constant 8 : i32
    %mul3A_4 = arith.muli %add3A_2, %mul3A_3 : i32
    %dma_start3A = arith.constant 0 : i32
    %dma_start3A_5 = tpu.memref_slice %arg2[%mul3A_4, %dma_start3A] : memref<16384x2048xf32, #tpu.memory_space<hbm>> -> memref<8x2048xf32, #tpu.memory_space<hbm>>
    %dma_start3A_6 = arith.constant 0 : i32
    %dma_start3A_7 = tpu.memref_slice %arg2[%mul3A_4, %dma_start3A_6] : memref<16384x2048xf32, #tpu.memory_space<hbm>> -> memref<8x2048xf32, #tpu.memory_space<hbm>>
    tpu.enqueue_dma source(%dma_start3A_7 : memref<8x2048xf32, #tpu.memory_space<hbm>>) target(%arg7 : memref<8x2048xf32, #tpu.memory_space<vmem>>) target_semaphore(%arg13 : memref<!tpu.dma_semaphore, #tpu.memory_space<semaphore_mem>>)
    %dma_start3A_8 = arith.constant 0 : i32
    %dma_start3A_9 = tpu.memref_slice %arg3[%mul3A_4, %dma_start3A_8] : memref<16384x2048xi32, #tpu.memory_space<hbm>> -> memref<8x2048xi32, #tpu.memory_space<hbm>>
    %dma_start3A_10 = arith.constant 0 : i32
    %dma_start3A_11 = tpu.memref_slice %arg3[%mul3A_4, %dma_start3A_10] : memref<16384x2048xi32, #tpu.memory_space<hbm>> -> memref<8x2048xi32, #tpu.memory_space<hbm>>
    tpu.enqueue_dma source(%dma_start3A_11 : memref<8x2048xi32, #tpu.memory_space<hbm>>) target(%arg9 : memref<8x2048xi32, #tpu.memory_space<vmem>>) target_semaphore(%arg15 : memref<!tpu.dma_semaphore, #tpu.memory_space<semaphore_mem>>)
    %add3A_12 = arith.constant 32 : i32
    %add3A_13 = arith.addi %add3A_12, %add3A : i32
    %mul3A_14 = arith.constant 8 : i32
    %mul3A_15 = arith.muli %add3A_13, %mul3A_14 : i32
    %dma_start3A_16 = arith.constant 0 : i32
    %dma_start3A_17 = tpu.memref_slice %arg2[%mul3A_15, %dma_start3A_16] : memref<16384x2048xf32, #tpu.memory_space<hbm>> -> memref<8x2048xf32, #tpu.memory_space<hbm>>
    %dma_start3A_18 = arith.constant 0 : i32
    %dma_start3A_19 = tpu.memref_slice %arg2[%mul3A_15, %dma_start3A_18] : memref<16384x2048xf32, #tpu.memory_space<hbm>> -> memref<8x2048xf32, #tpu.memory_space<hbm>>
    tpu.enqueue_dma source(%dma_start3A_19 : memref<8x2048xf32, #tpu.memory_space<hbm>>) target(%arg8 : memref<8x2048xf32, #tpu.memory_space<vmem>>) target_semaphore(%arg14 : memref<!tpu.dma_semaphore, #tpu.memory_space<semaphore_mem>>)
    %dma_start3A_20 = arith.constant 0 : i32
    %dma_start3A_21 = tpu.memref_slice %arg3[%mul3A_15, %dma_start3A_20] : memref<16384x2048xi32, #tpu.memory_space<hbm>> -> memref<8x2048xi32, #tpu.memory_space<hbm>>
    %dma_start3A_22 = arith.constant 0 : i32
    %dma_start3A_23 = tpu.memref_slice %arg3[%mul3A_15, %dma_start3A_22] : memref<16384x2048xi32, #tpu.memory_space<hbm>> -> memref<8x2048xi32, #tpu.memory_space<hbm>>
    tpu.enqueue_dma source(%dma_start3A_23 : memref<8x2048xi32, #tpu.memory_space<hbm>>) target(%arg10 : memref<8x2048xi32, #tpu.memory_space<vmem>>) target_semaphore(%arg16 : memref<!tpu.dma_semaphore, #tpu.memory_space<semaphore_mem>>)
    "tpu.region"() ({
      %run_scoped3A = tpu.sem_alloc : memref<!tpu.dma_semaphore, #tpu.memory_space<semaphore_mem>>
      tpu.enqueue_dma source(%arg4 : memref<1024xf32, #tpu.memory_space<hbm>>) target(%arg6 : memref<1024xf32, #tpu.memory_space<vmem>>) target_semaphore(%run_scoped3A : memref<!tpu.dma_semaphore, #tpu.memory_space<semaphore_mem>>)
      tpu.wait_dma2 semaphore(%run_scoped3A : memref<!tpu.dma_semaphore, #tpu.memory_space<semaphore_mem>>) src(%arg4 : memref<1024xf32, #tpu.memory_space<hbm>>) dst(%arg6 : memref<1024xf32, #tpu.memory_space<vmem>>)
      tpu.yield
    }) : () -> ()
    %scan3A = arith.constant 0 : i32
    %scan3A_24 = arith.constant 0 : i32
    %scan3A_25 = arith.constant 32 : i32
    %scan3A_26 = arith.addi %scan3A_24, %scan3A_25 : i32
    %scan3A_27 = arith.constant 1 : i32
    %scan3A_28 = scf.for %scan3A_45 = %scan3A_24 to %scan3A_26 step %scan3A_27 iter_args(%scan3A_46 = %scan3A) -> (i32)  : i32 {
      %mul3A_47 = arith.constant 2 : i32
      %mul3A_48 = arith.muli %mul3A_47, %scan3A_45 : i32
      %add3A_49 = arith.constant 0 : i32
      %add3A_50 = arith.addi %mul3A_48, %add3A_49 : i32
      %mul3A_51 = arith.constant 32 : i32
      %mul3A_52 = arith.muli %add3A_50, %mul3A_51 : i32
      %add3A_53 = arith.addi %mul3A_52, %add3A : i32
      %mul3A_54 = arith.constant 8 : i32
      %mul3A_55 = arith.muli %add3A_53, %mul3A_54 : i32
      %dma_wait3A_56 = arith.constant 0 : i32
      %dma_wait3A_57 = tpu.memref_slice %arg2[%mul3A_55, %dma_wait3A_56] : memref<16384x2048xf32, #tpu.memory_space<hbm>> -> memref<8x2048xf32, #tpu.memory_space<hbm>>
      %dma_wait3A_58 = arith.constant 0 : i32
      %dma_wait3A_59 = tpu.memref_slice %arg2[%mul3A_55, %dma_wait3A_58] : memref<16384x2048xf32, #tpu.memory_space<hbm>> -> memref<8x2048xf32, #tpu.memory_space<hbm>>
      tpu.wait_dma2 semaphore(%arg13 : memref<!tpu.dma_semaphore, #tpu.memory_space<semaphore_mem>>) src(%dma_wait3A_59 : memref<8x2048xf32, #tpu.memory_space<hbm>>) dst(%arg7 : memref<8x2048xf32, #tpu.memory_space<vmem>>)
      %dma_wait3A_60 = arith.constant 0 : i32
      %dma_wait3A_61 = tpu.memref_slice %arg3[%mul3A_55, %dma_wait3A_60] : memref<16384x2048xi32, #tpu.memory_space<hbm>> -> memref<8x2048xi32, #tpu.memory_space<hbm>>
      %dma_wait3A_62 = arith.constant 0 : i32
      %dma_wait3A_63 = tpu.memref_slice %arg3[%mul3A_55, %dma_wait3A_62] : memref<16384x2048xi32, #tpu.memory_space<hbm>> -> memref<8x2048xi32, #tpu.memory_space<hbm>>
      tpu.wait_dma2 semaphore(%arg15 : memref<!tpu.dma_semaphore, #tpu.memory_space<semaphore_mem>>) src(%dma_wait3A_63 : memref<8x2048xi32, #tpu.memory_space<hbm>>) dst(%arg9 : memref<8x2048xi32, #tpu.memory_space<vmem>>)
      %ge3A = arith.constant 1 : i32
      %ge3A_64 = arith.cmpi sge, %scan3A_45, %ge3A : i32
      %convert_element_type3A = arith.extui %ge3A_64 : i1 to i32
      %cond3A = arith.constant 0 : i32
      %cond3A_65 = arith.cmpi ne, %convert_element_type3A, %cond3A : i32
      scf.if %cond3A_65 {
        %sub3A = arith.constant 2 : i32
        %sub3A_125 = arith.subi %add3A_50, %sub3A : i32
        %mul3A_126 = arith.constant 32 : i32
        %mul3A_127 = arith.muli %sub3A_125, %mul3A_126 : i32
        %add3A_128 = arith.addi %mul3A_127, %add3A : i32
        %mul3A_129 = arith.constant 8 : i32
        %mul3A_130 = arith.muli %add3A_128, %mul3A_129 : i32
        %dma_wait3A_131 = arith.constant 0 : i32
        %dma_wait3A_132 = tpu.memref_slice %arg5[%mul3A_130, %dma_wait3A_131] : memref<16384x2048xf32, #tpu.memory_space<hbm>> -> memref<8x2048xf32, #tpu.memory_space<hbm>>
        %dma_wait3A_133 = arith.constant 0 : i32
        %dma_wait3A_134 = tpu.memref_slice %arg5[%mul3A_130, %dma_wait3A_133] : memref<16384x2048xf32, #tpu.memory_space<hbm>> -> memref<8x2048xf32, #tpu.memory_space<hbm>>
        tpu.wait_dma2 semaphore(%arg17 : memref<!tpu.dma_semaphore, #tpu.memory_space<semaphore_mem>>) src(%arg11 : memref<8x2048xf32, #tpu.memory_space<vmem>>) dst(%dma_wait3A_134 : memref<8x2048xf32, #tpu.memory_space<hbm>>)
      } else {
      }
      %parallel_loop3A = arith.constant 0 : i32
      %parallel_loop3A_66 = arith.constant 2048 : i32
      %parallel_loop3A_67 = arith.constant 16 : i32
      scf.for %parallel_loop3A_125 = %parallel_loop3A to %parallel_loop3A_66 step %parallel_loop3A_67  : i32 {
        %parallel_loop3A_126 = arith.constant 0 : i32
        %parallel_loop3A_127 = arith.index_cast %parallel_loop3A_126 : i32 to index
        %parallel_loop3A_128 = arith.index_cast %parallel_loop3A_125 : i32 to index
        %parallel_loop3A_129 = tpu.vector_load %arg9[%parallel_loop3A_127, %parallel_loop3A_128] {strides = array<i32>} : memref<8x2048xi32, #tpu.memory_space<vmem>>, vector<16xi32>,
        %parallel_loop3A_130 = tpu.vector_load_idx %arg6[%parallel_loop3A_129] : memref<1024xf32, #tpu.memory_space<vmem>>[vector<16xi32>], vector<16xf32>,
        %parallel_loop3A_131 = arith.constant 0 : i32
        %parallel_loop3A_132 = arith.index_cast %parallel_loop3A_131 : i32 to index
        %parallel_loop3A_133 = arith.index_cast %parallel_loop3A_125 : i32 to index
        %parallel_loop3A_134 = tpu.vector_load %arg7[%parallel_loop3A_132, %parallel_loop3A_133] {strides = array<i32>} : memref<8x2048xf32, #tpu.memory_space<vmem>>, vector<16xf32>,
        %parallel_loop3A_135 = arith.mulf %parallel_loop3A_134, %parallel_loop3A_130 : vector<16xf32>
        %parallel_loop3A_136 = arith.constant 0 : i32
        %parallel_loop3A_137 = arith.index_cast %parallel_loop3A_136 : i32 to index
        %parallel_loop3A_138 = arith.index_cast %parallel_loop3A_125 : i32 to index
        %parallel_loop3A_139 = tpu.vector_load %arg11[%parallel_loop3A_137, %parallel_loop3A_138] {strides = array<i32>} : memref<8x2048xf32, #tpu.memory_space<vmem>>, vector<16xf32>,
        tpu.vector_store %arg11[%parallel_loop3A_137, %parallel_loop3A_138], %parallel_loop3A_135 {strides = array<i32>} : memref<8x2048xf32, #tpu.memory_space<vmem>>, vector<16xf32>,
        %parallel_loop3A_140 = arith.constant 1 : i32
        %parallel_loop3A_141 = arith.index_cast %parallel_loop3A_140 : i32 to index
        %parallel_loop3A_142 = arith.index_cast %parallel_loop3A_125 : i32 to index
        %parallel_loop3A_143 = tpu.vector_load %arg9[%parallel_loop3A_141, %parallel_loop3A_142] {strides = array<i32>} : memref<8x2048xi32, #tpu.memory_space<vmem>>, vector<16xi32>,
        %parallel_loop3A_144 = tpu.vector_load_idx %arg6[%parallel_loop3A_143] : memref<1024xf32, #tpu.memory_space<vmem>>[vector<16xi32>], vector<16xf32>,
        %parallel_loop3A_145 = arith.constant 1 : i32
        %parallel_loop3A_146 = arith.index_cast %parallel_loop3A_145 : i32 to index
        %parallel_loop3A_147 = arith.index_cast %parallel_loop3A_125 : i32 to index
        %parallel_loop3A_148 = tpu.vector_load %arg7[%parallel_loop3A_146, %parallel_loop3A_147] {strides = array<i32>} : memref<8x2048xf32, #tpu.memory_space<vmem>>, vector<16xf32>,
        %parallel_loop3A_149 = arith.mulf %parallel_loop3A_148, %parallel_loop3A_144 : vector<16xf32>
        %parallel_loop3A_150 = arith.constant 1 : i32
        %parallel_loop3A_151 = arith.index_cast %parallel_loop3A_150 : i32 to index
        %parallel_loop3A_152 = arith.index_cast %parallel_loop3A_125 : i32 to index
        %parallel_loop3A_153 = tpu.vector_load %arg11[%parallel_loop3A_151, %parallel_loop3A_152] {strides = array<i32>} : memref<8x2048xf32, #tpu.memory_space<vmem>>, vector<16xf32>,
        tpu.vector_store %arg11[%parallel_loop3A_151, %parallel_loop3A_152], %parallel_loop3A_149 {strides = array<i32>} : memref<8x2048xf32, #tpu.memory_space<vmem>>, vector<16xf32>,
        %parallel_loop3A_154 = arith.constant 2 : i32
        %parallel_loop3A_155 = arith.index_cast %parallel_loop3A_154 : i32 to index
        %parallel_loop3A_156 = arith.index_cast %parallel_loop3A_125 : i32 to index
        %parallel_loop3A_157 = tpu.vector_load %arg9[%parallel_loop3A_155, %parallel_loop3A_156] {strides = array<i32>} : memref<8x2048xi32, #tpu.memory_space<vmem>>, vector<16xi32>,
        %parallel_loop3A_158 = tpu.vector_load_idx %arg6[%parallel_loop3A_157] : memref<1024xf32, #tpu.memory_space<vmem>>[vector<16xi32>], vector<16xf32>,
        %parallel_loop3A_159 = arith.constant 2 : i32
        %parallel_loop3A_160 = arith.index_cast %parallel_loop3A_159 : i32 to index
        %parallel_loop3A_161 = arith.index_cast %parallel_loop3A_125 : i32 to index
        %parallel_loop3A_162 = tpu.vector_load %arg7[%parallel_loop3A_160, %parallel_loop3A_161] {strides = array<i32>} : memref<8x2048xf32, #tpu.memory_space<vmem>>, vector<16xf32>,
        %parallel_loop3A_163 = arith.mulf %parallel_loop3A_162, %parallel_loop3A_158 : vector<16xf32>
        %parallel_loop3A_164 = arith.constant 2 : i32
        %parallel_loop3A_165 = arith.index_cast %parallel_loop3A_164 : i32 to index
        %parallel_loop3A_166 = arith.index_cast %parallel_loop3A_125 : i32 to index
        %parallel_loop3A_167 = tpu.vector_load %arg11[%parallel_loop3A_165, %parallel_loop3A_166] {strides = array<i32>} : memref<8x2048xf32, #tpu.memory_space<vmem>>, vector<16xf32>,
        tpu.vector_store %arg11[%parallel_loop3A_165, %parallel_loop3A_166], %parallel_loop3A_163 {strides = array<i32>} : memref<8x2048xf32, #tpu.memory_space<vmem>>, vector<16xf32>,
        %parallel_loop3A_168 = arith.constant 3 : i32
        %parallel_loop3A_169 = arith.index_cast %parallel_loop3A_168 : i32 to index
        %parallel_loop3A_170 = arith.index_cast %parallel_loop3A_125 : i32 to index
        %parallel_loop3A_171 = tpu.vector_load %arg9[%parallel_loop3A_169, %parallel_loop3A_170] {strides = array<i32>} : memref<8x2048xi32, #tpu.memory_space<vmem>>, vector<16xi32>,
        %parallel_loop3A_172 = tpu.vector_load_idx %arg6[%parallel_loop3A_171] : memref<1024xf32, #tpu.memory_space<vmem>>[vector<16xi32>], vector<16xf32>,
        %parallel_loop3A_173 = arith.constant 3 : i32
        %parallel_loop3A_174 = arith.index_cast %parallel_loop3A_173 : i32 to index
        %parallel_loop3A_175 = arith.index_cast %parallel_loop3A_125 : i32 to index
        %parallel_loop3A_176 = tpu.vector_load %arg7[%parallel_loop3A_174, %parallel_loop3A_175] {strides = array<i32>} : memref<8x2048xf32, #tpu.memory_space<vmem>>, vector<16xf32>,
        %parallel_loop3A_177 = arith.mulf %parallel_loop3A_176, %parallel_loop3A_172 : vector<16xf32>
        %parallel_loop3A_178 = arith.constant 3 : i32
        %parallel_loop3A_179 = arith.index_cast %parallel_loop3A_178 : i32 to index
        %parallel_loop3A_180 = arith.index_cast %parallel_loop3A_125 : i32 to index
        %parallel_loop3A_181 = tpu.vector_load %arg11[%parallel_loop3A_179, %parallel_loop3A_180] {strides = array<i32>} : memref<8x2048xf32, #tpu.memory_space<vmem>>, vector<16xf32>,
        tpu.vector_store %arg11[%parallel_loop3A_179, %parallel_loop3A_180], %parallel_loop3A_177 {strides = array<i32>} : memref<8x2048xf32, #tpu.memory_space<vmem>>, vector<16xf32>,
        %parallel_loop3A_182 = arith.constant 4 : i32
        %parallel_loop3A_183 = arith.index_cast %parallel_loop3A_182 : i32 to index
        %parallel_loop3A_184 = arith.index_cast %parallel_loop3A_125 : i32 to index
        %parallel_loop3A_185 = tpu.vector_load %arg9[%parallel_loop3A_183, %parallel_loop3A_184] {strides = array<i32>} : memref<8x2048xi32, #tpu.memory_space<vmem>>, vector<16xi32>,
        %parallel_loop3A_186 = tpu.vector_load_idx %arg6[%parallel_loop3A_185] : memref<1024xf32, #tpu.memory_space<vmem>>[vector<16xi32>], vector<16xf32>,
        %parallel_loop3A_187 = arith.constant 4 : i32
        %parallel_loop3A_188 = arith.index_cast %parallel_loop3A_187 : i32 to index
        %parallel_loop3A_189 = arith.index_cast %parallel_loop3A_125 : i32 to index
        %parallel_loop3A_190 = tpu.vector_load %arg7[%parallel_loop3A_188, %parallel_loop3A_189] {strides = array<i32>} : memref<8x2048xf32, #tpu.memory_space<vmem>>, vector<16xf32>,
        %parallel_loop3A_191 = arith.mulf %parallel_loop3A_190, %parallel_loop3A_186 : vector<16xf32>
        %parallel_loop3A_192 = arith.constant 4 : i32
        %parallel_loop3A_193 = arith.index_cast %parallel_loop3A_192 : i32 to index
        %parallel_loop3A_194 = arith.index_cast %parallel_loop3A_125 : i32 to index
        %parallel_loop3A_195 = tpu.vector_load %arg11[%parallel_loop3A_193, %parallel_loop3A_194] {strides = array<i32>} : memref<8x2048xf32, #tpu.memory_space<vmem>>, vector<16xf32>,
        tpu.vector_store %arg11[%parallel_loop3A_193, %parallel_loop3A_194], %parallel_loop3A_191 {strides = array<i32>} : memref<8x2048xf32, #tpu.memory_space<vmem>>, vector<16xf32>,
        %parallel_loop3A_196 = arith.constant 5 : i32
        %parallel_loop3A_197 = arith.index_cast %parallel_loop3A_196 : i32 to index
        %parallel_loop3A_198 = arith.index_cast %parallel_loop3A_125 : i32 to index
        %parallel_loop3A_199 = tpu.vector_load %arg9[%parallel_loop3A_197, %parallel_loop3A_198] {strides = array<i32>} : memref<8x2048xi32, #tpu.memory_space<vmem>>, vector<16xi32>,
        %parallel_loop3A_200 = tpu.vector_load_idx %arg6[%parallel_loop3A_199] : memref<1024xf32, #tpu.memory_space<vmem>>[vector<16xi32>], vector<16xf32>,
        %parallel_loop3A_201 = arith.constant 5 : i32
        %parallel_loop3A_202 = arith.index_cast %parallel_loop3A_201 : i32 to index
        %parallel_loop3A_203 = arith.index_cast %parallel_loop3A_125 : i32 to index
        %parallel_loop3A_204 = tpu.vector_load %arg7[%parallel_loop3A_202, %parallel_loop3A_203] {strides = array<i32>} : memref<8x2048xf32, #tpu.memory_space<vmem>>, vector<16xf32>,
        %parallel_loop3A_205 = arith.mulf %parallel_loop3A_204, %parallel_loop3A_200 : vector<16xf32>
        %parallel_loop3A_206 = arith.constant 5 : i32
        %parallel_loop3A_207 = arith.index_cast %parallel_loop3A_206 : i32 to index
        %parallel_loop3A_208 = arith.index_cast %parallel_loop3A_125 : i32 to index
        %parallel_loop3A_209 = tpu.vector_load %arg11[%parallel_loop3A_207, %parallel_loop3A_208] {strides = array<i32>} : memref<8x2048xf32, #tpu.memory_space<vmem>>, vector<16xf32>,
        tpu.vector_store %arg11[%parallel_loop3A_207, %parallel_loop3A_208], %parallel_loop3A_205 {strides = array<i32>} : memref<8x2048xf32, #tpu.memory_space<vmem>>, vector<16xf32>,
        %parallel_loop3A_210 = arith.constant 6 : i32
        %parallel_loop3A_211 = arith.index_cast %parallel_loop3A_210 : i32 to index
        %parallel_loop3A_212 = arith.index_cast %parallel_loop3A_125 : i32 to index
        %parallel_loop3A_213 = tpu.vector_load %arg9[%parallel_loop3A_211, %parallel_loop3A_212] {strides = array<i32>} : memref<8x2048xi32, #tpu.memory_space<vmem>>, vector<16xi32>,
        %parallel_loop3A_214 = tpu.vector_load_idx %arg6[%parallel_loop3A_213] : memref<1024xf32, #tpu.memory_space<vmem>>[vector<16xi32>], vector<16xf32>,
        %parallel_loop3A_215 = arith.constant 6 : i32
        %parallel_loop3A_216 = arith.index_cast %parallel_loop3A_215 : i32 to index
        %parallel_loop3A_217 = arith.index_cast %parallel_loop3A_125 : i32 to index
        %parallel_loop3A_218 = tpu.vector_load %arg7[%parallel_loop3A_216, %parallel_loop3A_217] {strides = array<i32>} : memref<8x2048xf32, #tpu.memory_space<vmem>>, vector<16xf32>,
        %parallel_loop3A_219 = arith.mulf %parallel_loop3A_218, %parallel_loop3A_214 : vector<16xf32>
        %parallel_loop3A_220 = arith.constant 6 : i32
        %parallel_loop3A_221 = arith.index_cast %parallel_loop3A_220 : i32 to index
        %parallel_loop3A_222 = arith.index_cast %parallel_loop3A_125 : i32 to index
        %parallel_loop3A_223 = tpu.vector_load %arg11[%parallel_loop3A_221, %parallel_loop3A_222] {strides = array<i32>} : memref<8x2048xf32, #tpu.memory_space<vmem>>, vector<16xf32>,
        tpu.vector_store %arg11[%parallel_loop3A_221, %parallel_loop3A_222], %parallel_loop3A_219 {strides = array<i32>} : memref<8x2048xf32, #tpu.memory_space<vmem>>, vector<16xf32>,
        %parallel_loop3A_224 = arith.constant 7 : i32
        %parallel_loop3A_225 = arith.index_cast %parallel_loop3A_224 : i32 to index
        %parallel_loop3A_226 = arith.index_cast %parallel_loop3A_125 : i32 to index
        %parallel_loop3A_227 = tpu.vector_load %arg9[%parallel_loop3A_225, %parallel_loop3A_226] {strides = array<i32>} : memref<8x2048xi32, #tpu.memory_space<vmem>>, vector<16xi32>,
        %parallel_loop3A_228 = tpu.vector_load_idx %arg6[%parallel_loop3A_227] : memref<1024xf32, #tpu.memory_space<vmem>>[vector<16xi32>], vector<16xf32>,
        %parallel_loop3A_229 = arith.constant 7 : i32
        %parallel_loop3A_230 = arith.index_cast %parallel_loop3A_229 : i32 to index
        %parallel_loop3A_231 = arith.index_cast %parallel_loop3A_125 : i32 to index
        %parallel_loop3A_232 = tpu.vector_load %arg7[%parallel_loop3A_230, %parallel_loop3A_231] {strides = array<i32>} : memref<8x2048xf32, #tpu.memory_space<vmem>>, vector<16xf32>,
        %parallel_loop3A_233 = arith.mulf %parallel_loop3A_232, %parallel_loop3A_228 : vector<16xf32>
        %parallel_loop3A_234 = arith.constant 7 : i32
        %parallel_loop3A_235 = arith.index_cast %parallel_loop3A_234 : i32 to index
        %parallel_loop3A_236 = arith.index_cast %parallel_loop3A_125 : i32 to index
        %parallel_loop3A_237 = tpu.vector_load %arg11[%parallel_loop3A_235, %parallel_loop3A_236] {strides = array<i32>} : memref<8x2048xf32, #tpu.memory_space<vmem>>, vector<16xf32>,
        tpu.vector_store %arg11[%parallel_loop3A_235, %parallel_loop3A_236], %parallel_loop3A_233 {strides = array<i32>} : memref<8x2048xf32, #tpu.memory_space<vmem>>, vector<16xf32>,
      } {sc.loop_unroll_factor = 4 : i64, sc.parallel_access}
      %mul3A_68 = arith.constant 32 : i32
      %mul3A_69 = arith.muli %add3A_50, %mul3A_68 : i32
      %add3A_70 = arith.addi %mul3A_69, %add3A : i32
      %mul3A_71 = arith.constant 8 : i32
      %mul3A_72 = arith.muli %add3A_70, %mul3A_71 : i32
      %dma_start3A_73 = arith.constant 0 : i32
      %dma_start3A_74 = tpu.memref_slice %arg5[%mul3A_72, %dma_start3A_73] : memref<16384x2048xf32, #tpu.memory_space<hbm>> -> memref<8x2048xf32, #tpu.memory_space<hbm>>
      %dma_start3A_75 = arith.constant 0 : i32
      %dma_start3A_76 = tpu.memref_slice %arg5[%mul3A_72, %dma_start3A_75] : memref<16384x2048xf32, #tpu.memory_space<hbm>> -> memref<8x2048xf32, #tpu.memory_space<hbm>>
      tpu.enqueue_dma source(%arg11 : memref<8x2048xf32, #tpu.memory_space<vmem>>) target(%dma_start3A_76 : memref<8x2048xf32, #tpu.memory_space<hbm>>) target_semaphore(%arg17 : memref<!tpu.dma_semaphore, #tpu.memory_space<semaphore_mem>>)
      %add3A_77 = arith.constant 2 : i32
      %add3A_78 = arith.addi %add3A_50, %add3A_77 : i32
      %lt3A = arith.constant 64 : i32
      %lt3A_79 = arith.cmpi slt, %add3A_78, %lt3A : i32
      %convert_element_type3A_80 = arith.extui %lt3A_79 : i1 to i32
      %cond3A_81 = arith.constant 0 : i32
      %cond3A_82 = arith.cmpi ne, %convert_element_type3A_80, %cond3A_81 : i32
      scf.if %cond3A_82 {
        %add3A_125 = arith.constant 2 : i32
        %add3A_126 = arith.addi %add3A_50, %add3A_125 : i32
        %mul3A_127 = arith.constant 32 : i32
        %mul3A_128 = arith.muli %add3A_126, %mul3A_127 : i32
        %add3A_129 = arith.addi %mul3A_128, %add3A : i32
        %mul3A_130 = arith.constant 8 : i32
        %mul3A_131 = arith.muli %add3A_129, %mul3A_130 : i32
        %dma_start3A_132 = arith.constant 0 : i32
        %dma_start3A_133 = tpu.memref_slice %arg2[%mul3A_131, %dma_start3A_132] : memref<16384x2048xf32, #tpu.memory_space<hbm>> -> memref<8x2048xf32, #tpu.memory_space<hbm>>
        %dma_start3A_134 = arith.constant 0 : i32
        %dma_start3A_135 = tpu.memref_slice %arg2[%mul3A_131, %dma_start3A_134] : memref<16384x2048xf32, #tpu.memory_space<hbm>> -> memref<8x2048xf32, #tpu.memory_space<hbm>>
        tpu.enqueue_dma source(%dma_start3A_135 : memref<8x2048xf32, #tpu.memory_space<hbm>>) target(%arg7 : memref<8x2048xf32, #tpu.memory_space<vmem>>) target_semaphore(%arg13 : memref<!tpu.dma_semaphore, #tpu.memory_space<semaphore_mem>>)
        %dma_start3A_136 = arith.constant 0 : i32
        %dma_start3A_137 = tpu.memref_slice %arg3[%mul3A_131, %dma_start3A_136] : memref<16384x2048xi32, #tpu.memory_space<hbm>> -> memref<8x2048xi32, #tpu.memory_space<hbm>>
        %dma_start3A_138 = arith.constant 0 : i32
        %dma_start3A_139 = tpu.memref_slice %arg3[%mul3A_131, %dma_start3A_138] : memref<16384x2048xi32, #tpu.memory_space<hbm>> -> memref<8x2048xi32, #tpu.memory_space<hbm>>
        tpu.enqueue_dma source(%dma_start3A_139 : memref<8x2048xi32, #tpu.memory_space<hbm>>) target(%arg9 : memref<8x2048xi32, #tpu.memory_space<vmem>>) target_semaphore(%arg15 : memref<!tpu.dma_semaphore, #tpu.memory_space<semaphore_mem>>)
      } else {
      }
      %mul3A_83 = arith.constant 2 : i32
      %mul3A_84 = arith.muli %mul3A_83, %scan3A_45 : i32
      %add3A_85 = arith.constant 1 : i32
      %add3A_86 = arith.addi %mul3A_84, %add3A_85 : i32
      %mul3A_87 = arith.constant 32 : i32
      %mul3A_88 = arith.muli %add3A_86, %mul3A_87 : i32
      %add3A_89 = arith.addi %mul3A_88, %add3A : i32
      %mul3A_90 = arith.constant 8 : i32
      %mul3A_91 = arith.muli %add3A_89, %mul3A_90 : i32
      %dma_wait3A_92 = arith.constant 0 : i32
      %dma_wait3A_93 = tpu.memref_slice %arg2[%mul3A_91, %dma_wait3A_92] : memref<16384x2048xf32, #tpu.memory_space<hbm>> -> memref<8x2048xf32, #tpu.memory_space<hbm>>
      %dma_wait3A_94 = arith.constant 0 : i32
      %dma_wait3A_95 = tpu.memref_slice %arg2[%mul3A_91, %dma_wait3A_94] : memref<16384x2048xf32, #tpu.memory_space<hbm>> -> memref<8x2048xf32, #tpu.memory_space<hbm>>
      tpu.wait_dma2 semaphore(%arg14 : memref<!tpu.dma_semaphore, #tpu.memory_space<semaphore_mem>>) src(%dma_wait3A_95 : memref<8x2048xf32, #tpu.memory_space<hbm>>) dst(%arg8 : memref<8x2048xf32, #tpu.memory_space<vmem>>)
      %dma_wait3A_96 = arith.constant 0 : i32
      %dma_wait3A_97 = tpu.memref_slice %arg3[%mul3A_91, %dma_wait3A_96] : memref<16384x2048xi32, #tpu.memory_space<hbm>> -> memref<8x2048xi32, #tpu.memory_space<hbm>>
      %dma_wait3A_98 = arith.constant 0 : i32
      %dma_wait3A_99 = tpu.memref_slice %arg3[%mul3A_91, %dma_wait3A_98] : memref<16384x2048xi32, #tpu.memory_space<hbm>> -> memref<8x2048xi32, #tpu.memory_space<hbm>>
      tpu.wait_dma2 semaphore(%arg16 : memref<!tpu.dma_semaphore, #tpu.memory_space<semaphore_mem>>) src(%dma_wait3A_99 : memref<8x2048xi32, #tpu.memory_space<hbm>>) dst(%arg10 : memref<8x2048xi32, #tpu.memory_space<vmem>>)
      %ge3A_100 = arith.constant 1 : i32
      %ge3A_101 = arith.cmpi sge, %scan3A_45, %ge3A_100 : i32
      %convert_element_type3A_102 = arith.extui %ge3A_101 : i1 to i32
      %cond3A_103 = arith.constant 0 : i32
      %cond3A_104 = arith.cmpi ne, %convert_element_type3A_102, %cond3A_103 : i32
      scf.if %cond3A_104 {
        %sub3A = arith.constant 2 : i32
        %sub3A_125 = arith.subi %add3A_86, %sub3A : i32
        %mul3A_126 = arith.constant 32 : i32
        %mul3A_127 = arith.muli %sub3A_125, %mul3A_126 : i32
        %add3A_128 = arith.addi %mul3A_127, %add3A : i32
        %mul3A_129 = arith.constant 8 : i32
        %mul3A_130 = arith.muli %add3A_128, %mul3A_129 : i32
        %dma_wait3A_131 = arith.constant 0 : i32
        %dma_wait3A_132 = tpu.memref_slice %arg5[%mul3A_130, %dma_wait3A_131] : memref<16384x2048xf32, #tpu.memory_space<hbm>> -> memref<8x2048xf32, #tpu.memory_space<hbm>>
        %dma_wait3A_133 = arith.constant 0 : i32
        %dma_wait3A_134 = tpu.memref_slice %arg5[%mul3A_130, %dma_wait3A_133] : memref<16384x2048xf32, #tpu.memory_space<hbm>> -> memref<8x2048xf32, #tpu.memory_space<hbm>>
        tpu.wait_dma2 semaphore(%arg18 : memref<!tpu.dma_semaphore, #tpu.memory_space<semaphore_mem>>) src(%arg12 : memref<8x2048xf32, #tpu.memory_space<vmem>>) dst(%dma_wait3A_134 : memref<8x2048xf32, #tpu.memory_space<hbm>>)
      } else {
      }
      %parallel_loop3A_105 = arith.constant 0 : i32
      %parallel_loop3A_106 = arith.constant 2048 : i32
      %parallel_loop3A_107 = arith.constant 16 : i32
      scf.for %parallel_loop3A_125 = %parallel_loop3A_105 to %parallel_loop3A_106 step %parallel_loop3A_107  : i32 {
        %parallel_loop3A_126 = arith.constant 0 : i32
        %parallel_loop3A_127 = arith.index_cast %parallel_loop3A_126 : i32 to index
        %parallel_loop3A_128 = arith.index_cast %parallel_loop3A_125 : i32 to index
        %parallel_loop3A_129 = tpu.vector_load %arg10[%parallel_loop3A_127, %parallel_loop3A_128] {strides = array<i32>} : memref<8x2048xi32, #tpu.memory_space<vmem>>, vector<16xi32>,
        %parallel_loop3A_130 = tpu.vector_load_idx %arg6[%parallel_loop3A_129] : memref<1024xf32, #tpu.memory_space<vmem>>[vector<16xi32>], vector<16xf32>,
        %parallel_loop3A_131 = arith.constant 0 : i32
        %parallel_loop3A_132 = arith.index_cast %parallel_loop3A_131 : i32 to index
        %parallel_loop3A_133 = arith.index_cast %parallel_loop3A_125 : i32 to index
        %parallel_loop3A_134 = tpu.vector_load %arg8[%parallel_loop3A_132, %parallel_loop3A_133] {strides = array<i32>} : memref<8x2048xf32, #tpu.memory_space<vmem>>, vector<16xf32>,
        %parallel_loop3A_135 = arith.mulf %parallel_loop3A_134, %parallel_loop3A_130 : vector<16xf32>
        %parallel_loop3A_136 = arith.constant 0 : i32
        %parallel_loop3A_137 = arith.index_cast %parallel_loop3A_136 : i32 to index
        %parallel_loop3A_138 = arith.index_cast %parallel_loop3A_125 : i32 to index
        %parallel_loop3A_139 = tpu.vector_load %arg12[%parallel_loop3A_137, %parallel_loop3A_138] {strides = array<i32>} : memref<8x2048xf32, #tpu.memory_space<vmem>>, vector<16xf32>,
        tpu.vector_store %arg12[%parallel_loop3A_137, %parallel_loop3A_138], %parallel_loop3A_135 {strides = array<i32>} : memref<8x2048xf32, #tpu.memory_space<vmem>>, vector<16xf32>,
        %parallel_loop3A_140 = arith.constant 1 : i32
        %parallel_loop3A_141 = arith.index_cast %parallel_loop3A_140 : i32 to index
        %parallel_loop3A_142 = arith.index_cast %parallel_loop3A_125 : i32 to index
        %parallel_loop3A_143 = tpu.vector_load %arg10[%parallel_loop3A_141, %parallel_loop3A_142] {strides = array<i32>} : memref<8x2048xi32, #tpu.memory_space<vmem>>, vector<16xi32>,
        %parallel_loop3A_144 = tpu.vector_load_idx %arg6[%parallel_loop3A_143] : memref<1024xf32, #tpu.memory_space<vmem>>[vector<16xi32>], vector<16xf32>,
        %parallel_loop3A_145 = arith.constant 1 : i32
        %parallel_loop3A_146 = arith.index_cast %parallel_loop3A_145 : i32 to index
        %parallel_loop3A_147 = arith.index_cast %parallel_loop3A_125 : i32 to index
        %parallel_loop3A_148 = tpu.vector_load %arg8[%parallel_loop3A_146, %parallel_loop3A_147] {strides = array<i32>} : memref<8x2048xf32, #tpu.memory_space<vmem>>, vector<16xf32>,
        %parallel_loop3A_149 = arith.mulf %parallel_loop3A_148, %parallel_loop3A_144 : vector<16xf32>
        %parallel_loop3A_150 = arith.constant 1 : i32
        %parallel_loop3A_151 = arith.index_cast %parallel_loop3A_150 : i32 to index
        %parallel_loop3A_152 = arith.index_cast %parallel_loop3A_125 : i32 to index
        %parallel_loop3A_153 = tpu.vector_load %arg12[%parallel_loop3A_151, %parallel_loop3A_152] {strides = array<i32>} : memref<8x2048xf32, #tpu.memory_space<vmem>>, vector<16xf32>,
        tpu.vector_store %arg12[%parallel_loop3A_151, %parallel_loop3A_152], %parallel_loop3A_149 {strides = array<i32>} : memref<8x2048xf32, #tpu.memory_space<vmem>>, vector<16xf32>,
        %parallel_loop3A_154 = arith.constant 2 : i32
        %parallel_loop3A_155 = arith.index_cast %parallel_loop3A_154 : i32 to index
        %parallel_loop3A_156 = arith.index_cast %parallel_loop3A_125 : i32 to index
        %parallel_loop3A_157 = tpu.vector_load %arg10[%parallel_loop3A_155, %parallel_loop3A_156] {strides = array<i32>} : memref<8x2048xi32, #tpu.memory_space<vmem>>, vector<16xi32>,
        %parallel_loop3A_158 = tpu.vector_load_idx %arg6[%parallel_loop3A_157] : memref<1024xf32, #tpu.memory_space<vmem>>[vector<16xi32>], vector<16xf32>,
        %parallel_loop3A_159 = arith.constant 2 : i32
        %parallel_loop3A_160 = arith.index_cast %parallel_loop3A_159 : i32 to index
        %parallel_loop3A_161 = arith.index_cast %parallel_loop3A_125 : i32 to index
        %parallel_loop3A_162 = tpu.vector_load %arg8[%parallel_loop3A_160, %parallel_loop3A_161] {strides = array<i32>} : memref<8x2048xf32, #tpu.memory_space<vmem>>, vector<16xf32>,
        %parallel_loop3A_163 = arith.mulf %parallel_loop3A_162, %parallel_loop3A_158 : vector<16xf32>
        %parallel_loop3A_164 = arith.constant 2 : i32
        %parallel_loop3A_165 = arith.index_cast %parallel_loop3A_164 : i32 to index
        %parallel_loop3A_166 = arith.index_cast %parallel_loop3A_125 : i32 to index
        %parallel_loop3A_167 = tpu.vector_load %arg12[%parallel_loop3A_165, %parallel_loop3A_166] {strides = array<i32>} : memref<8x2048xf32, #tpu.memory_space<vmem>>, vector<16xf32>,
        tpu.vector_store %arg12[%parallel_loop3A_165, %parallel_loop3A_166], %parallel_loop3A_163 {strides = array<i32>} : memref<8x2048xf32, #tpu.memory_space<vmem>>, vector<16xf32>,
        %parallel_loop3A_168 = arith.constant 3 : i32
        %parallel_loop3A_169 = arith.index_cast %parallel_loop3A_168 : i32 to index
        %parallel_loop3A_170 = arith.index_cast %parallel_loop3A_125 : i32 to index
        %parallel_loop3A_171 = tpu.vector_load %arg10[%parallel_loop3A_169, %parallel_loop3A_170] {strides = array<i32>} : memref<8x2048xi32, #tpu.memory_space<vmem>>, vector<16xi32>,
        %parallel_loop3A_172 = tpu.vector_load_idx %arg6[%parallel_loop3A_171] : memref<1024xf32, #tpu.memory_space<vmem>>[vector<16xi32>], vector<16xf32>,
        %parallel_loop3A_173 = arith.constant 3 : i32
        %parallel_loop3A_174 = arith.index_cast %parallel_loop3A_173 : i32 to index
        %parallel_loop3A_175 = arith.index_cast %parallel_loop3A_125 : i32 to index
        %parallel_loop3A_176 = tpu.vector_load %arg8[%parallel_loop3A_174, %parallel_loop3A_175] {strides = array<i32>} : memref<8x2048xf32, #tpu.memory_space<vmem>>, vector<16xf32>,
        %parallel_loop3A_177 = arith.mulf %parallel_loop3A_176, %parallel_loop3A_172 : vector<16xf32>
        %parallel_loop3A_178 = arith.constant 3 : i32
        %parallel_loop3A_179 = arith.index_cast %parallel_loop3A_178 : i32 to index
        %parallel_loop3A_180 = arith.index_cast %parallel_loop3A_125 : i32 to index
        %parallel_loop3A_181 = tpu.vector_load %arg12[%parallel_loop3A_179, %parallel_loop3A_180] {strides = array<i32>} : memref<8x2048xf32, #tpu.memory_space<vmem>>, vector<16xf32>,
        tpu.vector_store %arg12[%parallel_loop3A_179, %parallel_loop3A_180], %parallel_loop3A_177 {strides = array<i32>} : memref<8x2048xf32, #tpu.memory_space<vmem>>, vector<16xf32>,
        %parallel_loop3A_182 = arith.constant 4 : i32
        %parallel_loop3A_183 = arith.index_cast %parallel_loop3A_182 : i32 to index
        %parallel_loop3A_184 = arith.index_cast %parallel_loop3A_125 : i32 to index
        %parallel_loop3A_185 = tpu.vector_load %arg10[%parallel_loop3A_183, %parallel_loop3A_184] {strides = array<i32>} : memref<8x2048xi32, #tpu.memory_space<vmem>>, vector<16xi32>,
        %parallel_loop3A_186 = tpu.vector_load_idx %arg6[%parallel_loop3A_185] : memref<1024xf32, #tpu.memory_space<vmem>>[vector<16xi32>], vector<16xf32>,
        %parallel_loop3A_187 = arith.constant 4 : i32
        %parallel_loop3A_188 = arith.index_cast %parallel_loop3A_187 : i32 to index
        %parallel_loop3A_189 = arith.index_cast %parallel_loop3A_125 : i32 to index
        %parallel_loop3A_190 = tpu.vector_load %arg8[%parallel_loop3A_188, %parallel_loop3A_189] {strides = array<i32>} : memref<8x2048xf32, #tpu.memory_space<vmem>>, vector<16xf32>,
        %parallel_loop3A_191 = arith.mulf %parallel_loop3A_190, %parallel_loop3A_186 : vector<16xf32>
        %parallel_loop3A_192 = arith.constant 4 : i32
        %parallel_loop3A_193 = arith.index_cast %parallel_loop3A_192 : i32 to index
        %parallel_loop3A_194 = arith.index_cast %parallel_loop3A_125 : i32 to index
        %parallel_loop3A_195 = tpu.vector_load %arg12[%parallel_loop3A_193, %parallel_loop3A_194] {strides = array<i32>} : memref<8x2048xf32, #tpu.memory_space<vmem>>, vector<16xf32>,
        tpu.vector_store %arg12[%parallel_loop3A_193, %parallel_loop3A_194], %parallel_loop3A_191 {strides = array<i32>} : memref<8x2048xf32, #tpu.memory_space<vmem>>, vector<16xf32>,
        %parallel_loop3A_196 = arith.constant 5 : i32
        %parallel_loop3A_197 = arith.index_cast %parallel_loop3A_196 : i32 to index
        %parallel_loop3A_198 = arith.index_cast %parallel_loop3A_125 : i32 to index
        %parallel_loop3A_199 = tpu.vector_load %arg10[%parallel_loop3A_197, %parallel_loop3A_198] {strides = array<i32>} : memref<8x2048xi32, #tpu.memory_space<vmem>>, vector<16xi32>,
        %parallel_loop3A_200 = tpu.vector_load_idx %arg6[%parallel_loop3A_199] : memref<1024xf32, #tpu.memory_space<vmem>>[vector<16xi32>], vector<16xf32>,
        %parallel_loop3A_201 = arith.constant 5 : i32
        %parallel_loop3A_202 = arith.index_cast %parallel_loop3A_201 : i32 to index
        %parallel_loop3A_203 = arith.index_cast %parallel_loop3A_125 : i32 to index
        %parallel_loop3A_204 = tpu.vector_load %arg8[%parallel_loop3A_202, %parallel_loop3A_203] {strides = array<i32>} : memref<8x2048xf32, #tpu.memory_space<vmem>>, vector<16xf32>,
        %parallel_loop3A_205 = arith.mulf %parallel_loop3A_204, %parallel_loop3A_200 : vector<16xf32>
        %parallel_loop3A_206 = arith.constant 5 : i32
        %parallel_loop3A_207 = arith.index_cast %parallel_loop3A_206 : i32 to index
        %parallel_loop3A_208 = arith.index_cast %parallel_loop3A_125 : i32 to index
        %parallel_loop3A_209 = tpu.vector_load %arg12[%parallel_loop3A_207, %parallel_loop3A_208] {strides = array<i32>} : memref<8x2048xf32, #tpu.memory_space<vmem>>, vector<16xf32>,
        tpu.vector_store %arg12[%parallel_loop3A_207, %parallel_loop3A_208], %parallel_loop3A_205 {strides = array<i32>} : memref<8x2048xf32, #tpu.memory_space<vmem>>, vector<16xf32>,
        %parallel_loop3A_210 = arith.constant 6 : i32
        %parallel_loop3A_211 = arith.index_cast %parallel_loop3A_210 : i32 to index
        %parallel_loop3A_212 = arith.index_cast %parallel_loop3A_125 : i32 to index
        %parallel_loop3A_213 = tpu.vector_load %arg10[%parallel_loop3A_211, %parallel_loop3A_212] {strides = array<i32>} : memref<8x2048xi32, #tpu.memory_space<vmem>>, vector<16xi32>,
        %parallel_loop3A_214 = tpu.vector_load_idx %arg6[%parallel_loop3A_213] : memref<1024xf32, #tpu.memory_space<vmem>>[vector<16xi32>], vector<16xf32>,
        %parallel_loop3A_215 = arith.constant 6 : i32
        %parallel_loop3A_216 = arith.index_cast %parallel_loop3A_215 : i32 to index
        %parallel_loop3A_217 = arith.index_cast %parallel_loop3A_125 : i32 to index
        %parallel_loop3A_218 = tpu.vector_load %arg8[%parallel_loop3A_216, %parallel_loop3A_217] {strides = array<i32>} : memref<8x2048xf32, #tpu.memory_space<vmem>>, vector<16xf32>,
        %parallel_loop3A_219 = arith.mulf %parallel_loop3A_218, %parallel_loop3A_214 : vector<16xf32>
        %parallel_loop3A_220 = arith.constant 6 : i32
        %parallel_loop3A_221 = arith.index_cast %parallel_loop3A_220 : i32 to index
        %parallel_loop3A_222 = arith.index_cast %parallel_loop3A_125 : i32 to index
        %parallel_loop3A_223 = tpu.vector_load %arg12[%parallel_loop3A_221, %parallel_loop3A_222] {strides = array<i32>} : memref<8x2048xf32, #tpu.memory_space<vmem>>, vector<16xf32>,
        tpu.vector_store %arg12[%parallel_loop3A_221, %parallel_loop3A_222], %parallel_loop3A_219 {strides = array<i32>} : memref<8x2048xf32, #tpu.memory_space<vmem>>, vector<16xf32>,
        %parallel_loop3A_224 = arith.constant 7 : i32
        %parallel_loop3A_225 = arith.index_cast %parallel_loop3A_224 : i32 to index
        %parallel_loop3A_226 = arith.index_cast %parallel_loop3A_125 : i32 to index
        %parallel_loop3A_227 = tpu.vector_load %arg10[%parallel_loop3A_225, %parallel_loop3A_226] {strides = array<i32>} : memref<8x2048xi32, #tpu.memory_space<vmem>>, vector<16xi32>,
        %parallel_loop3A_228 = tpu.vector_load_idx %arg6[%parallel_loop3A_227] : memref<1024xf32, #tpu.memory_space<vmem>>[vector<16xi32>], vector<16xf32>,
        %parallel_loop3A_229 = arith.constant 7 : i32
        %parallel_loop3A_230 = arith.index_cast %parallel_loop3A_229 : i32 to index
        %parallel_loop3A_231 = arith.index_cast %parallel_loop3A_125 : i32 to index
        %parallel_loop3A_232 = tpu.vector_load %arg8[%parallel_loop3A_230, %parallel_loop3A_231] {strides = array<i32>} : memref<8x2048xf32, #tpu.memory_space<vmem>>, vector<16xf32>,
        %parallel_loop3A_233 = arith.mulf %parallel_loop3A_232, %parallel_loop3A_228 : vector<16xf32>
        %parallel_loop3A_234 = arith.constant 7 : i32
        %parallel_loop3A_235 = arith.index_cast %parallel_loop3A_234 : i32 to index
        %parallel_loop3A_236 = arith.index_cast %parallel_loop3A_125 : i32 to index
        %parallel_loop3A_237 = tpu.vector_load %arg12[%parallel_loop3A_235, %parallel_loop3A_236] {strides = array<i32>} : memref<8x2048xf32, #tpu.memory_space<vmem>>, vector<16xf32>,
        tpu.vector_store %arg12[%parallel_loop3A_235, %parallel_loop3A_236], %parallel_loop3A_233 {strides = array<i32>} : memref<8x2048xf32, #tpu.memory_space<vmem>>, vector<16xf32>,
      } {sc.loop_unroll_factor = 4 : i64, sc.parallel_access}
      %mul3A_108 = arith.constant 32 : i32
      %mul3A_109 = arith.muli %add3A_86, %mul3A_108 : i32
      %add3A_110 = arith.addi %mul3A_109, %add3A : i32
      %mul3A_111 = arith.constant 8 : i32
      %mul3A_112 = arith.muli %add3A_110, %mul3A_111 : i32
      %dma_start3A_113 = arith.constant 0 : i32
      %dma_start3A_114 = tpu.memref_slice %arg5[%mul3A_112, %dma_start3A_113] : memref<16384x2048xf32, #tpu.memory_space<hbm>> -> memref<8x2048xf32, #tpu.memory_space<hbm>>
      %dma_start3A_115 = arith.constant 0 : i32
      %dma_start3A_116 = tpu.memref_slice %arg5[%mul3A_112, %dma_start3A_115] : memref<16384x2048xf32, #tpu.memory_space<hbm>> -> memref<8x2048xf32, #tpu.memory_space<hbm>>
      tpu.enqueue_dma source(%arg12 : memref<8x2048xf32, #tpu.memory_space<vmem>>) target(%dma_start3A_116 : memref<8x2048xf32, #tpu.memory_space<hbm>>) target_semaphore(%arg18 : memref<!tpu.dma_semaphore, #tpu.memory_space<semaphore_mem>>)
      %add3A_117 = arith.constant 2 : i32
      %add3A_118 = arith.addi %add3A_86, %add3A_117 : i32
      %lt3A_119 = arith.constant 64 : i32
      %lt3A_120 = arith.cmpi slt, %add3A_118, %lt3A_119 : i32
      %convert_element_type3A_121 = arith.extui %lt3A_120 : i1 to i32
      %cond3A_122 = arith.constant 0 : i32
      %cond3A_123 = arith.cmpi ne, %convert_element_type3A_121, %cond3A_122 : i32
      scf.if %cond3A_123 {
        %add3A_125 = arith.constant 2 : i32
        %add3A_126 = arith.addi %add3A_86, %add3A_125 : i32
        %mul3A_127 = arith.constant 32 : i32
        %mul3A_128 = arith.muli %add3A_126, %mul3A_127 : i32
        %add3A_129 = arith.addi %mul3A_128, %add3A : i32
        %mul3A_130 = arith.constant 8 : i32
        %mul3A_131 = arith.muli %add3A_129, %mul3A_130 : i32
        %dma_start3A_132 = arith.constant 0 : i32
        %dma_start3A_133 = tpu.memref_slice %arg2[%mul3A_131, %dma_start3A_132] : memref<16384x2048xf32, #tpu.memory_space<hbm>> -> memref<8x2048xf32, #tpu.memory_space<hbm>>
        %dma_start3A_134 = arith.constant 0 : i32
        %dma_start3A_135 = tpu.memref_slice %arg2[%mul3A_131, %dma_start3A_134] : memref<16384x2048xf32, #tpu.memory_space<hbm>> -> memref<8x2048xf32, #tpu.memory_space<hbm>>
        tpu.enqueue_dma source(%dma_start3A_135 : memref<8x2048xf32, #tpu.memory_space<hbm>>) target(%arg8 : memref<8x2048xf32, #tpu.memory_space<vmem>>) target_semaphore(%arg14 : memref<!tpu.dma_semaphore, #tpu.memory_space<semaphore_mem>>)
        %dma_start3A_136 = arith.constant 0 : i32
        %dma_start3A_137 = tpu.memref_slice %arg3[%mul3A_131, %dma_start3A_136] : memref<16384x2048xi32, #tpu.memory_space<hbm>> -> memref<8x2048xi32, #tpu.memory_space<hbm>>
        %dma_start3A_138 = arith.constant 0 : i32
        %dma_start3A_139 = tpu.memref_slice %arg3[%mul3A_131, %dma_start3A_138] : memref<16384x2048xi32, #tpu.memory_space<hbm>> -> memref<8x2048xi32, #tpu.memory_space<hbm>>
        tpu.enqueue_dma source(%dma_start3A_139 : memref<8x2048xi32, #tpu.memory_space<hbm>>) target(%arg10 : memref<8x2048xi32, #tpu.memory_space<vmem>>) target_semaphore(%arg16 : memref<!tpu.dma_semaphore, #tpu.memory_space<semaphore_mem>>)
      } else {
      }
      %scan3A_124 = arith.constant 0 : i32
      scf.yield %scan3A_124 : i32
    }
    %scan3A_29 = arith.constant 32 : i32
    %add3A_30 = arith.constant 1984 : i32
    %add3A_31 = arith.addi %add3A_30, %add3A : i32
    %mul3A_32 = arith.constant 8 : i32
    %mul3A_33 = arith.muli %add3A_31, %mul3A_32 : i32
    %dma_wait3A = arith.constant 0 : i32
    %dma_wait3A_34 = tpu.memref_slice %arg5[%mul3A_33, %dma_wait3A] : memref<16384x2048xf32, #tpu.memory_space<hbm>> -> memref<8x2048xf32, #tpu.memory_space<hbm>>
    %dma_wait3A_35 = arith.constant 0 : i32
    %dma_wait3A_36 = tpu.memref_slice %arg5[%mul3A_33, %dma_wait3A_35] : memref<16384x2048xf32, #tpu.memory_space<hbm>> -> memref<8x2048xf32, #tpu.memory_space<hbm>>
    tpu.wait_dma2 semaphore(%arg17 : memref<!tpu.dma_semaphore, #tpu.memory_space<semaphore_mem>>) src(%arg11 : memref<8x2048xf32, #tpu.memory_space<vmem>>) dst(%dma_wait3A_36 : memref<8x2048xf32, #tpu.memory_space<hbm>>)
    %add3A_37 = arith.constant 2016 : i32
    %add3A_38 = arith.addi %add3A_37, %add3A : i32
    %mul3A_39 = arith.constant 8 : i32
    %mul3A_40 = arith.muli %add3A_38, %mul3A_39 : i32
    %dma_wait3A_41 = arith.constant 0 : i32
    %dma_wait3A_42 = tpu.memref_slice %arg5[%mul3A_40, %dma_wait3A_41] : memref<16384x2048xf32, #tpu.memory_space<hbm>> -> memref<8x2048xf32, #tpu.memory_space<hbm>>
    %dma_wait3A_43 = arith.constant 0 : i32
    %dma_wait3A_44 = tpu.memref_slice %arg5[%mul3A_40, %dma_wait3A_43] : memref<16384x2048xf32, #tpu.memory_space<hbm>> -> memref<8x2048xf32, #tpu.memory_space<hbm>>
    tpu.wait_dma2 semaphore(%arg18 : memref<!tpu.dma_semaphore, #tpu.memory_space<semaphore_mem>>) src(%arg12 : memref<8x2048xf32, #tpu.memory_space<vmem>>) dst(%dma_wait3A_44 : memref<8x2048xf32, #tpu.memory_space<hbm>>)
    return
  }
}

</mosaic_0001>

<sc_bundles>
// kernel: kernel.3.cloned.1.call-start
scs
__scs_entry_jumppad:
0x0: {  	(pc) =	sbr.rel $0x88, $3  }
0x1: {  	(tag) =	ssettag $0x0;
	lr =	simm.s32 $0x1  }
0x2: {  	[smem:$0x3F9E] =	sst lr;
	_ =	strace $0xD0000000  }
0x3: {  	_ = 	snop  }
0x4: {  	_ = 	snop  }
0x5: {  	_ = 	snop  }
0x6: {  	_ = 	snop  }
0x7: {  	_ = 	snop  }
__scs_overlays_trampoline_lowered:
0x8: {  	[smem:$0x3FAD] =	sst s0  }
0x9: {  	[smem:$0x3FAE] =	sst s1  }
0xa: {  	[smem:$0x3FAF] =	sst s2  }
0xb: {  	[smem:$0x3FB0] =	sst s3  }
0xc: {  	[smem:$0x3FB1] =	sst s4  }
0xd: {  	[smem:$0x3FB2] =	sst s5  }
0xe: {  	[smem:$0x3FB3] =	sst s6  }
0xf: {  	[smem:$0x3FB4] =	sst s7  }
0x10: {  	[smem:$0x3FB5] =	sst s8  }
0x11: {  	[smem:$0x3FB6] =	sst s9;
	s0 =	simm.s32 @!p0 $0x0  }
0x12: {  	s1 =	sld [smem:$0x3F9C];
	s0 =	simm.s32 @p0 $0x1  }
0x13: {  	[smem:$0x3FB7] =	sst s0;
	s0 =	simm.s32 @!p1 $0x0  }
0x14: {  	s2 =	sld [smem:$0x3F9B];
	s0 =	simm.s32 @p1 $0x1  }
0x15: {  	[smem:$0x3FB8] =	sst s0;
	s0 =	simm.s32 @!p2 $0x0  }
0x16: {  	s3 =	sld [smem:$0x3FDB];
	s0 =	simm.s32 @p2 $0x1  }
0x17: {  	s4 =	simm.s32 $0x1BF5;
	[smem:$0x3FBA] =	sst s0  }
0x18: {  	s0 =	sld [smem:$0x3F9D];
	_ =	swait.ge [sflag:s4], $0x0  }
0x19: {  	s7 =	sld [smem:$0x3F9E]  }
0x1a: {  	s8 =	sadd.s32 $0xFFFFE003, lr  }
0x1b: {  	s9 =	sadd.s32 $0xFFFFFEF7, lr;
	s5 =	simm.s32 $0xFFFFFFFF;
	p2 =	slt.u32 s8, $0xFFFFF086  }
0x1c: {  	p1 =	slt.u32 s9, $0xF7A;
	s5 =	simm.s32 @!p2 $0x0  }
0x1d: {  	s5 =	simm.s32 @p1 $0x1;
	p0 =	seq.s32 s7, s2  }
0x1e: {  	s7 =	smul.u32 @!p0 $0xF7A, s2;
	p2 =	seq.s32 @!p0 s5, $0x0  }
0x1f: {  	s9 =	smul.u32 $0xF7A, s1;
	s8 =	simm.s32 @!p0 $0x1BF5;
	p2 =	por !p2, p0  }
0x20: {  	[sflag:s8] =	ssyncset.s32 @!p0 $0xFFFFF086;
	s6 =	sadd.s32 @!p0 s3, s7;
	s7 =	simm.s32 @!p0 $0x108  }
0x21: {  	s3 =	sadd.s32 s3, s9;
	s6 =	sadd.s32 @!p0 $0x88, s6;
	s7 =	simm.s32 @p2 $0x1082  }
0x22: {  	[simem:s7], [sflag:s8] =	dma.local @!p0 [hbm:s6], $0xF7A  }
0x23: {  	s9 =	sor.u32 $0xD0000000, s2;
	s6 =	simm.s32 $0x108;
	_ =	swait.ge @!p0 [sflag:s8], $0x0  }
0x24: {  	s3 =	sadd.s32 $0x88, s3;
	s6 =	simm.s32 @!p1 $0x1082;
	[sflag:s4] =	ssyncset.s32 $0xFFFFF086  }
0x25: {  	[simem:s6], [sflag:s4] =	dma.local [hbm:s3], $0xF7A  }
0x26: {  	[smem:$0x3F9E] =	sst s1;
	(tag) =	ssettag s2;
	_ =	strace s9  }
0x27: {  	s1 =	sld [smem:$0x3FAE]  }
0x28: {  	s2 =	sld [smem:$0x3FAF]  }
0x29: {  	s4 =	sld [smem:$0x3FB1]  }
0x2a: {  	p0 =	seq.s32 s5, $0x0;
	s5 =	sld [smem:$0x3FB2]  }
0x2b: {  	s6 =	sld [smem:$0x3FB3]  }
0x2c: {  	s7 =	sld [smem:$0x3FB4]  }
0x2d: {  	s3 =	simm.s32 $0x108;
	s8 =	sld [smem:$0x3FB5]  }
0x2e: {  	s3 =	simm.s32 @!p0 $0x1082;
	s9 =	sld [smem:$0x3FB6]  }
0x2f: {  	lr =	sadd.s32 s0, s3;
	s0 =	sld [smem:$0x3FAD]  }
0x30: {  	s3 =	sld [smem:$0x3FB0]  }
0x31: {  	[smem:$0x3FB9] =	sst s10  }
0x32: {  	s10 =	sld [smem:$0x3FB7];
	_ =	sdelay $0x3  }
0x33: {  	p0 =	seq.s32 s10, $0x1;
	s10 =	sld [smem:$0x3FB9];
	_ =	sdelay $0x3  }
0x34: {  	[smem:$0x3FB9] =	sst s10  }
0x35: {  	s10 =	sld [smem:$0x3FB8];
	_ =	sdelay $0x3  }
0x36: {  	p1 =	seq.s32 s10, $0x1;
	s10 =	sld [smem:$0x3FB9];
	_ =	sdelay $0x3  }
0x37: {  	[smem:$0x3FB9] =	sst s10  }
0x38: {  	s10 =	sld [smem:$0x3FBA]  }
0x39: {  	_ = 	snop;
	(pc) =	sbr.ind lr, $3  }
0x3a: {  	_ = 	snop  }
0x3b: {  	_ = 	snop  }
0x3c: {  	p2 =	seq.s32 s10, $0x1;
	s10 =	sld [smem:$0x3FB9]  }
0x3d: {  	_ =	shalt  }
0x3e: {  	_ =	shalt  }
0x3f: {  	_ =	shalt  }
0x40: {  	_ =	shalt  }
0x41: {  	_ =	shalt  }
0x42: {  	_ =	shalt  }
0x43: {  	_ =	shalt  }
0x44: {  	_ =	shalt  }
0x45: {  	_ =	shalt  }
0x46: {  	_ =	shalt  }
0x47: {  	_ =	shalt  }
0x48: {  	_ =	shalt  }
0x49: {  	_ =	shalt  }
0x4a: {  	_ =	shalt  }
0x4b: {  	_ =	shalt  }
0x4c: {  	_ =	shalt  }
0x4d: {  	_ =	shalt  }
0x4e: {  	_ =	shalt  }
0x4f: {  	_ =	shalt  }
0x50: {  	_ =	shalt  }
0x51: {  	_ =	shalt  }
0x52: {  	_ =	shalt  }
0x53: {  	_ =	shalt  }
0x54: {  	_ =	shalt  }
0x55: {  	_ =	shalt  }
0x56: {  	_ =	shalt  }
0x57: {  	_ =	shalt  }
0x58: {  	_ =	shalt  }
0x59: {  	_ =	shalt  }
0x5a: {  	_ =	shalt  }
0x5b: {  	_ =	shalt  }
0x5c: {  	_ =	shalt  }
0x5d: {  	_ =	shalt  }
0x5e: {  	_ =	shalt  }
0x5f: {  	_ =	shalt  }
0x60: {  	_ =	shalt  }
0x61: {  	_ =	shalt  }
0x62: {  	_ =	shalt  }
0x63: {  	_ =	shalt  }
0x64: {  	_ =	shalt  }
0x65: {  	_ =	shalt  }
0x66: {  	_ =	shalt  }
0x67: {  	_ =	shalt  }
0x68: {  	_ =	shalt  }
0x69: {  	_ =	shalt  }
0x6a: {  	_ =	shalt  }
0x6b: {  	_ =	shalt  }
0x6c: {  	_ =	shalt  }
0x6d: {  	_ =	shalt  }
0x6e: {  	_ =	shalt  }
0x6f: {  	_ =	shalt  }
0x70: {  	_ =	shalt  }
0x71: {  	_ =	shalt  }
0x72: {  	_ =	shalt  }
0x73: {  	_ =	shalt  }
0x74: {  	_ =	shalt  }
0x75: {  	_ =	shalt  }
0x76: {  	_ =	shalt  }
0x77: {  	_ =	shalt  }
0x78: {  	_ =	shalt  }
0x79: {  	_ =	shalt  }
0x7a: {  	_ =	shalt  }
0x7b: {  	_ =	shalt  }
0x7c: {  	_ =	shalt  }
0x7d: {  	_ =	shalt  }
0x7e: {  	_ =	shalt  }
0x7f: {  	_ =	shalt  }
0x80: {  	_ =	shalt  }
0x81: {  	_ =	shalt  }
0x82: {  	_ =	shalt  }
0x83: {  	_ =	shalt  }
0x84: {  	_ =	shalt  }
0x85: {  	_ =	shalt  }
0x86: {  	_ =	shalt  }
0x87: {  	_ =	shalt  }
.Lfunc_end0:
.L_simem_size_0:
called_computation_lowered:
.L_overlay_start_0:
0x88: {  	s2 =	sld [smem:$0x3FD9]  }
0x89: {  	s3 =	sld [smem:$0x3FFE];
	_ =	sdelay $0x1  }
0x8a: {  	s1 =	srdreg.scid  }
0x8b: {  	s0 =	sand.u32 $0x1, s1  }
0x8c: {  	s18 =	sshll.u32 s0, $0xA;
	s2 =	sadd.s32 s3, s2  }
0x8d: {  	s2 =	sadd.s32 s2, s18  }
0x8e: {  	[smem:$0x3FC5] =	sst s2  }
0x8f: {  	_ = 	snop  }
0x90: {  	s2 =	sld [smem:$0x3FC9]  }
0x91: {  	s19 =	sld [smem:$0x3FC8]  }
0x92: {  	s4 =	sld [smem:$0x3FC7]  }
0x93: {  	s5 =	sld [smem:$0x3FD0];
	(tm) =	ssettm $0x1  }
0x94: {  	s6 =	sld [smem:$0x3FFB];
	_ =	sdelay $0x3  }
0x95: {  	_ =	strace s6  }
0x96: {  	s6 =	sld [smem:$0x3FFC];
	_ =	sdelay $0x3  }
0x97: {  	_ =	strace s6  }
0x98: {  	s6 =	sld [smem:$0x3FFD];
	_ =	sdelay $0x3  }
0x99: {  	_ =	strace s6  }
0x9a: {  	_ =	strace $0x8FFFFFFF  }
0x9b: {  	s20 =	sld [smem:$0x3FDB];
	_ =	sdelay $0x1  }
0x9c: {  	s7 =	simm.s32 $_scs_section_size  }
0x9d: {  	s8 =	simm.s32 $_size__tile_overlayer_lowered;
	s9 =	simm.s32 $_tile_overlayer_lowered  }
0x9e: {  	s23 =	simm.s32 $0x1BFF;
	s22 =	sshll.u32 s9, $0x1;
	s6 =	sadd.s32 s7, s20  }
0x9f: {  	s10 =	simm.s32 $0x0;
	s21 =	sshll.u32 s8, $0x1;
	s8 =	sadd.s32 s22, s6  }
0xa0: {  	[timem:s10], [sflag:s23] =	dma.local [hbm:s8], s21  }
0xa1: {  	_ =	swait.ge [sflag:s23], s21  }
0xa2: {  	s7 =	ssub.s32 $0x0, s21;
	[sflag:s23] =	ssyncset.done $0x0  }
0xa3: {  	[sflag:s23] =	ssyncadd.s32 s7;
	_ =	sdelay $0x1  }
0xa4: {  	s24 =	simm.s32 $0x1B8B  }
0xa5: {  	_ =	swait.ge [sflag:s24], $0x1  }
0xa6: {  	[sflag:s24] =	ssyncset.done $0x0  }
0xa7: {  	s25 =	simm.s32 $0x1B8E;
	[sflag:s24] =	ssyncadd.s32 $0xFFFFFFFF  }
0xa8: {  	s26 =	simm.s32 $execute0_lowered;
	[smem:$0x3FD2] =	sst s25  }
0xa9: {  	s7 =	sshll.u32 s26, $0x1;
	_ =	strace $0x80000046;
	[dreg:$0x1] =	wrdreg $0xFFFFFFFF  }
0xaa: {  	s28 =	simm.s32 $_size_execute0_lowered;
	s6 =	sadd.s32 s6, s7;
	[dreg:$0x0] =	wrdreg $0x0  }
0xab: {  	s7 =	sshll.u32 s28, $0x1;
	[dreg:$0x2] =	wrdreg s6  }
0xac: {  	[dreg:$0x3] =	wrdreg s7  }
0xad: {  	[dreg:$0x4] =	wrdreg $0xC0  }
0xae: {  	_ =	task [dreg:s10], $0x5FFFF  }
0xaf: {  	[dreg:$0x1] =	wrdreg $0xFFFFFFFF  }
0xb0: {  	[dreg:$0x0] =	wrdreg $0x60  }
0xb1: {  	[dreg:$0x2] =	wrdreg s2  }
0xb2: {  	[dreg:$0x3] =	wrdreg s19  }
0xb3: {  	[dreg:$0x4] =	wrdreg s4  }
0xb4: {  	[dreg:$0x5] =	wrdreg s5  }
0xb5: {  	[dreg:$0x6] =	wrdreg $0x9  }
0xb6: {  	_ =	task.clear_ibuf [dreg:s10], $0x7FFFF;
	_ =	strace $0x90000046  }
0xb7: {  	s29 =	simm.s32 $0x9;
	_ =	strace $0x80000048  }
0xb8: {  	_ =	swait.ge [sflag:s29], $0x1  }
0xb9: {  	[sflag:s29] =	ssyncadd.s32 $0xFFFFFFFF  }
0xba: {  	_ =	strace $0x90000048  }
0xbb: {  	_ =	sfence  }
0xbc: {  	s30 =	sld [smem:$0x0];
	_ =	sdelay $0x2  }
0xbd: {  	s31 =	sshll.u32 s1, $0xD;
	s1 =	sshrl.u32 s1, $0x2  }
0xbe: {  	s3 =	sand.u32 $0x4000, s31;
	s1 =	sadd.s32 s1, s30  }
0xbf: {  	s0 =	sor.u32 s3, s0;
	s1 =	sshll.u32 s1, $0x11  }
0xc0: {  	s0 =	sor.u32 s1, s0  }
0xc1: {  	s0 =	sadd.s32 $0x8F2B, s0  }
0xc2: {  	[sflag:s0] =	ssyncadd.remote.s32 $0x1  }
0xc3: {  	_ =	sfence.sel $0xFFFF  }
0xc4: {  	[dreg:$0x0] =	wrdreg $0xFFFFFFFF;
	(pc) =	sbr.abs _section_cstart, $3  }
0xc5: {  	[dreg:$0x1] =	wrdreg $0xFFFFFFFF  }
0xc6: {  	_ =	task.clear_ibuf [dreg:s10], $0x2FFFF;
	_ =	strace $0x9FFFFFFF  }
0xc7: {  	(tm) =	ssettm $0x7FFFFFFF  }
tec
execute0_lowered:
.L_overlay_start_1:
0x0: {  	(tag) =	ssettag $0x1  }
0x1: {  	s4 =	rddreg [dreg:$0x0]  }
0x2: {  	s5 =	rddreg [dreg:$0x1]  }
0x3: {  	s7 =	rddreg [dreg:$0x3]  }
0x4: {  	s6 =	simm.s32 $0x0;
	s0 =	srdreg.scid;
	s2 =	stileid.u32  }
0x5: {  	[smem:$0x7FF] =	sst s6;
	s0 =	sand.u32 $0x1, s0;
	s2 =	sshll.u32 s2, $0xB  }
0x6: {  	s31 =	sadd.s32 $0x10000, s7;
	s1 =	ssub.s32 $0x2, s0;
	s0 =	sshll.u32 s0, $0xF  }
0x7: {  	_ =	strace $0x80000047;
	[dreg:$0xc] =	wrdreg s31;
	s2 =	sor.u32 s2, s0  }
0x8: {  	s24 =	sadd.s32 s4, s2;
	[dreg:$0x5] =	wrdreg s2  }
0x9: {  	s26 =	sadd.s32 s5, s2;
	[dreg:$0x6] =	wrdreg s24  }
0xa: {  	s25 =	sor.u32 $0x10000, s2;
	s29 =	sor.u32 $0x20000, s2;
	[dreg:$0x7] =	wrdreg s26  }
.Ltmp0:
0xb: {  	s30 =	sor.u32 $0x30000, s2;
	[dreg:$0xa] =	wrdreg s29;
	(pc) =	sbr.rel .LBB2_1-.Ltmp0, $4  }
0xc: {  	s3 =	sshrl.u32 s1, $0x1;
	s28 =	sadd.s32 s4, s25;
	[dreg:$0xb] =	wrdreg s30  }
0xd: {  	s23 =	ssub.s32 s1, s3;
	s1 =	sadd.s32 s5, s25;
	[dreg:$0x8] =	wrdreg s28  }
0xe: {  	s0 =	smax.u32 s23, $0x1;
	[dreg:$0x9] =	wrdreg s1  }
0xf: {  	s2 =	simm.s32 $0x0;
	s25 =	simm.s32 $0x4;
	[dreg:$0xd] =	wrdreg s0  }
.LBB2_8:
0x10: {  	s0 =	simm.s32 $0x5  }
0x11: {  	_ =	swait.ge [sflag:s0], $0x4000  }
0x12: {  	[sflag:s0] =	ssyncset.done $0x0  }
0x13: {  	s1 =	simm.s32 $0x6;
	[sflag:s0] =	ssyncadd.s32 $0xFFFFC000  }
0x14: {  	_ =	swait.ge [sflag:s1], $0x4000  }
0x15: {  	s2 =	rddreg [dreg:$0xe]  }
0x16: {  	s31 =	rddreg [dreg:$0xd];
	s2 =	sadd.s32 $0x1, s2  }
0x17: {  	p0 =	sne.s32 s2, s31  }
.Ltmp1:
0x18: {  	_ = 	snop;
	(pc) =	sbr.rel @!p0 .LBB2_9-.Ltmp1, $3  }
0x19: {  	_ =	sdelay $0x1  }
0x1a: {  	[sflag:s1] =	ssyncset.done $0x0  }
0x1b: {  	[sflag:s1] =	ssyncadd.s32 $0xFFFFC000  }
.LBB2_1:
0x1c: {  	[dreg:$0xe] =	wrdreg s2  }
0x1d: {  	s0 =	rddreg [dreg:$0x6];
	s1 =	simm.s32 $0x400  }
0x1e: {  	[tilespmem:s1], [sflag:$0x1] =	stream.linear.gather [hbm4b:s0+s6], $0x4000, $0x38;
	[tilespmem:$0x18400] =	vst v63  }
0x1f: {  	s21 =	rddreg [dreg:$0x7];
	s22 =	simm.s32 $0x8400  }
0x20: {  	[tilespmem:s22], [sflag:$0x3] =	stream.linear.gather [hbm4b:s21+s6], $0x4000, $0x38;
	[tilespmem:$0x18400] =	vst v63  }
0x21: {  	s23 =	rddreg [dreg:$0x8];
	s24 =	simm.s32 $0x4400  }
0x22: {  	[tilespmem:s24], [sflag:$0x2] =	stream.linear.gather [hbm4b:s23+s6], $0x4000, $0x38;
	[tilespmem:$0x18400] =	vst v63  }
0x23: {  	s26 =	rddreg [dreg:$0x9];
	s28 =	simm.s32 $0xC400  }
0x24: {  	[tilespmem:s28], [sflag:$0x4] =	stream.linear.gather [hbm4b:s26+s6], $0x4000, $0x38;
	[tilespmem:$0x18400] =	vst v63  }
0x25: {  	s29 =	rddreg [dreg:$0x2];
	s30 =	simm.s32 $0x7  }
0x26: {  	[tilespmem:s6], [sflag:$0x7] =	stream.linear.gather [hbm4b:s29+s6], $0x400, $0x38;
	[tilespmem:$0x18400] =	vst v63  }
0x27: {  	_ =	swait.ge [sflag:s30], $0x400  }
0x28: {  	[sflag:s30] =	ssyncset.done $0x0  }
0x29: {  	s31 =	simm.s32 $0x0;
	[sflag:s30] =	ssyncadd.s32 $0xFFFFFC00  }
.LBB2_2:
0x2a: {  	s0 =	simm.s32 $0x1  }
0x2b: {  	_ =	swait.ge [sflag:s0], $0x4000  }
0x2c: {  	[sflag:s0] =	ssyncset.done $0x0  }
0x2d: {  	s20 =	simm.s32 $0x3;
	[sflag:s0] =	ssyncadd.s32 $0xFFFFC000  }
0x2e: {  	_ =	swait.ge [sflag:s20], $0x4000  }
0x2f: {  	p0 =	seq.s32 s31, $0x0;
	[sflag:s20] =	ssyncset.done $0x0  }
0x30: {  	s0 =	simm.s32 @!p0 $0x5;
	[sflag:s20] =	ssyncadd.s32 $0xFFFFC000  }
0x31: {  	s1 =	simm.s32 $0x0;
	s2 =	simm.s32 $0x0;
	_ =	swait.ge @!p0 [sflag:s0], $0x4000  }
0x32: {  	s2 =	sand.u32 $0x40, s2;
	s1 =	sand.u32 $0x3C00, s1;
	[sflag:s0] =	ssyncset.done @!p0 $0x0  }
0x33: {  	s3 =	sor.u32 s2, s1;
	[sflag:s0] =	ssyncadd.s32 @!p0 $0xFFFFC000  }
0x34: {  	v0 =	vld [tilespmem:s3+$0x8430]  }
0x35: {  	v1 =	vld [tilespmem:s3+$0x8400]  }
0x36: {  	v2 =	vld [tilespmem:s3+$0x8410]  }
0x37: {  	v3 =	vld [tilespmem:s3+$0x8420]  }
0x38: {  	v4 =	vld [tilespmem:s3+$0x400]  }
0x39: {  	v5 =	vld [tilespmem:s3+$0x430]  }
0x3a: {  	v6 =	vld [tilespmem:s3+$0x84B0]  }
0x3b: {  	v7 =	vld [tilespmem:s3+$0x410]  }
0x3c: {  	v8 =	vld [tilespmem:s3+$0x8480]  }
0x3d: {  	v9 =	vld [tilespmem:s3+$0x8530]  }
0x3e: {  	v10 =	vld [tilespmem:s3+$0x420]  }
0x3f: {  	v0 =	vld.idx.msk [tilespmem:v0+s6+$0x0], $0xffff  }
0x40: {  	v11 =	vld [tilespmem:s3+$0x8520]  }
0x41: {  	v12 =	vld [tilespmem:s3+$0x510]  }
0x42: {  	v1 =	vld.idx.msk [tilespmem:v1+s6+$0x0], $0xffff  }
0x43: {  	v2 =	vld.idx.msk [tilespmem:v2+s6+$0x0], $0xffff  }
0x44: {  	v3 =	vld.idx.msk [tilespmem:v3+s6+$0x0], $0xffff;
	v0 =	vmul.f32 v5, v0  }
0x45: {  	v5 =	vld [tilespmem:s3+$0x8490]  }
0x46: {  	[tilespmem:s3+$0x10430] =	vst v0;
	v0 =	vld [tilespmem:s3+$0x4B0]  }
0x47: {  	v6 =	vld.idx.msk [tilespmem:v6+s6+$0x0], $0xffff  }
0x48: {  	v1 =	vmul.f32 v4, v1;
	v4 =	vld [tilespmem:s3+$0x84A0]  }
0x49: {  	v2 =	vmul.f32 v7, v2;
	v7 =	vld [tilespmem:s3+$0x480]  }
0x4a: {  	[tilespmem:s3+$0x10400] =	vst v1;
	v1 =	vld [tilespmem:s3+$0x490]  }
0x4b: {  	[tilespmem:s3+$0x10410] =	vst v2;
	v2 =	vld.idx.msk [tilespmem:v8+s6+$0x0], $0xffff  }
0x4c: {  	v8 =	vld [tilespmem:s3+$0x85B0];
	v0 =	vmul.f32 v0, v6  }
0x4d: {  	v5 =	vld.idx.msk [tilespmem:v5+s6+$0x0], $0xffff  }
0x4e: {  	[tilespmem:s3+$0x104B0] =	vst v0;
	v0 =	vld [tilespmem:s3+$0x530]  }
0x4f: {  	v3 =	vmul.f32 v10, v3;
	v6 =	vld.idx.msk [tilespmem:v9+s6+$0x0], $0xffff  }
0x50: {  	v10 =	vld [tilespmem:s3+$0x8510]  }
0x51: {  	[tilespmem:s3+$0x10420] =	vst v3;
	v3 =	vld [tilespmem:s3+$0x4A0]  }
0x52: {  	v9 =	vld [tilespmem:s3+$0x8500]  }
0x53: {  	v4 =	vld.idx.msk [tilespmem:v4+s6+$0x0], $0xffff  }
0x54: {  	v1 =	vmul.f32 v1, v5;
	v5 =	vld [tilespmem:s3+$0x5B0];
	v0 =	vmul.f32 v0, v6  }
0x55: {  	v6 =	vld [tilespmem:s3+$0x500]  }
0x56: {  	[tilespmem:s3+$0x10530] =	vst v0;
	v0 =	vmul.f32 v7, v2;
	v7 =	vld [tilespmem:s3+$0x8580]  }
0x57: {  	v2 =	vld.idx.msk [tilespmem:v8+s6+$0x0], $0xffff  }
0x58: {  	v8 =	vld [tilespmem:s3+$0x85A0]  }
0x59: {  	[tilespmem:s3+$0x10480] =	vst v0;
	v0 =	vmul.f32 v3, v4;
	v3 =	vld [tilespmem:s3+$0x520]  }
0x5a: {  	[tilespmem:s3+$0x10490] =	vst v1;
	v1 =	vld.idx.msk [tilespmem:v9+s6+$0x0], $0xffff  }
0x5b: {  	p1 =	por $0x0, $0x0;
	s0 =	simm.s32 $0x1;
	[tilespmem:s3+$0x104A0] =	vst v0;
	v0 =	vld.idx.msk [tilespmem:v10+s6+$0x0], $0xffff  }
0x5c: {  	s0 =	simm.s32 @!p1 $0x0;
	v4 =	vld.idx.msk [tilespmem:v11+s6+$0x0], $0xffff  }
0x5d: {  	s0 =	sshll.u32 s0, $0x6  }
0x5e: {  	s0 =	sadd.s32 $0x0, s0;
	v2 =	vmul.f32 v5, v2;
	v5 =	vld [tilespmem:s3+$0x8590]  }
0x5f: {  	s21 =	sadd.s32 $0x30, s0;
	v1 =	vmul.f32 v6, v1  }
0x60: {  	s22 =	sor.u32 $0x200, s21;
	[tilespmem:s3+$0x105B0] =	vst v2;
	v6 =	vld [tilespmem:s3+$0x580];
	v0 =	vmul.f32 v12, v0  }
0x61: {  	v2 =	vld [tilespmem:s22+$0x8400];
	[tilespmem:s3+$0x10500] =	vst v1;
	v1 =	vmul.f32 v3, v4  }
0x62: {  	[tilespmem:s3+$0x10510] =	vst v0;
	v0 =	vld.idx.msk [tilespmem:v7+s6+$0x0], $0xffff  }
0x63: {  	v3 =	vld [tilespmem:s3+$0x5A0];
	[tilespmem:s3+$0x10520] =	vst v1  }
0x64: {  	v4 =	vld.idx.msk [tilespmem:v8+s6+$0x0], $0xffff  }
0x65: {  	v9 =	vld [tilespmem:s3+$0x590]  }
0x66: {  	v1 =	vld.idx.msk [tilespmem:v5+s6+$0x0], $0xffff  }
0x67: {  	v0 =	vmul.f32 v6, v0  }
0x68: {  	v5 =	vld [tilespmem:s22+$0x400]  }
0x69: {  	s4 =	sor.u32 $0x200, s0;
	v2 =	vld.idx.msk [tilespmem:v2+s6+$0x0], $0xffff;
	[tilespmem:s3+$0x10580] =	vst v0;
	v0 =	vmul.f32 v3, v4  }
0x6a: {  	s9 =	sadd.s32 $0x20, s0;
	v3 =	vld [tilespmem:s4+$0x8400]  }
0x6b: {  	s10 =	sor.u32 $0x200, s9;
	v1 =	vmul.f32 v9, v1;
	[tilespmem:s3+$0x105A0] =	vst v0  }
0x6c: {  	s8 =	sadd.s32 $0x10, s0;
	v0 =	vld [tilespmem:s10+$0x8400]  }
0x6d: {  	s5 =	sor.u32 $0x200, s8;
	[tilespmem:s3+$0x10590] =	vst v1  }
0x6e: {  	v1 =	vmul.f32 v5, v2;
	v2 =	vld [tilespmem:s5+$0x8400];
	_ =	sdelay $0x1  }
0x6f: {  	s23 =	sor.u32 $0x280, s21;
	v4 =	vld [tilespmem:s4+$0x400];
	[tilespmem:s22+$0x10400] =	vst v1  }
0x70: {  	v1 =	vld [tilespmem:s23+$0x8400]  }
0x71: {  	v3 =	vld.idx.msk [tilespmem:v3+s6+$0x0], $0xffff  }
0x72: {  	v6 =	vld [tilespmem:s10+$0x400]  }
0x73: {  	v0 =	vld.idx.msk [tilespmem:v0+s6+$0x0], $0xffff  }
0x74: {  	v5 =	vld [tilespmem:s5+$0x400]  }
0x75: {  	v2 =	vld.idx.msk [tilespmem:v2+s6+$0x0], $0xffff  }
0x76: {  	v3 =	vmul.f32 v4, v3  }
0x77: {  	v7 =	vld [tilespmem:s23+$0x400]  }
0x78: {  	s24 =	sor.u32 $0x280, s0;
	v1 =	vld.idx.msk [tilespmem:v1+s6+$0x0], $0xffff;
	[tilespmem:s4+$0x10400] =	vst v3;
	v0 =	vmul.f32 v6, v0  }
0x79: {  	v3 =	vld [tilespmem:s24+$0x8400]  }
0x7a: {  	s13 =	sor.u32 $0x280, s9;
	v2 =	vmul.f32 v5, v2;
	v4 =	vld [tilespmem:s24+$0x400];
	[tilespmem:s10+$0x10400] =	vst v0  }
0x7b: {  	v0 =	vld [tilespmem:s13+$0x8400]  }
0x7c: {  	s11 =	sor.u32 $0x280, s8;
	s3 =	simm.s32 $0x200;
	[tilespmem:s5+$0x10400] =	vst v2;
	v6 =	vld [tilespmem:s13+$0x400];
	s5 =	simm.s32 $0x40  }
0x7d: {  	s15 =	sand.u32 $0x3C00, s3;
	v2 =	vld [tilespmem:s11+$0x8400];
	s12 =	sand.u32 $0x40, s5  }
0x7e: {  	v5 =	vld [tilespmem:s11+$0x400];
	s17 =	sor.u32 s12, s15  }
0x7f: {  	v8 =	vld [tilespmem:s17+$0x400]  }
0x80: {  	v9 =	vld [tilespmem:s17+$0x410]  }
0x81: {  	v1 =	vmul.f32 v7, v1;
	v10 =	vld [tilespmem:s17+$0x430]  }
0x82: {  	v47 =	vld [tilespmem:s17+$0x84B0]  }
0x83: {  	s26 =	sor.u32 $0x300, s21;
	[tilespmem:s23+$0x10400] =	vst v1;
	v13 =	vld [tilespmem:s17+$0x420]  }
0x84: {  	v1 =	vld [tilespmem:s26+$0x8400]  }
0x85: {  	v14 =	vld [tilespmem:s17+$0x8480]  }
0x86: {  	v15 =	vld [tilespmem:s17+$0x8530]  }
0x87: {  	v48 =	vld [tilespmem:s17+$0x4A0]  }
0x88: {  	v50 =	vld [tilespmem:s17+$0x8500]  }
0x89: {  	v7 =	vld [tilespmem:s26+$0x400]  }
0x8a: {  	v0 =	vld.idx.msk [tilespmem:v0+s6+$0x0], $0xffff  }
0x8b: {  	v2 =	vld.idx.msk [tilespmem:v2+s6+$0x0], $0xffff  }
0x8c: {  	v1 =	vld.idx.msk [tilespmem:v1+s6+$0x0], $0xffff  }
0x8d: {  	v51 =	vld [tilespmem:s17+$0x8510]  }
0x8e: {  	v16 =	vld [tilespmem:s17+$0x8520]  }
0x8f: {  	v17 =	vld [tilespmem:s17+$0x500];
	v0 =	vmul.f32 v6, v0  }
0x90: {  	v2 =	vmul.f32 v5, v2;
	v5 =	vld [tilespmem:s17+$0x8400]  }
0x91: {  	[tilespmem:s13+$0x10400] =	vst v0;
	v0 =	vmul.f32 v7, v1;
	v1 =	vld [tilespmem:s17+$0x8430]  }
0x92: {  	v52 =	vld [tilespmem:s17+$0x510]  }
0x93: {  	v53 =	vld [tilespmem:s17+$0x8590]  }
0x94: {  	v6 =	vld [tilespmem:s17+$0x8410]  }
0x95: {  	v7 =	vld [tilespmem:s17+$0x8420]  }
0x96: {  	v54 =	vld [tilespmem:s17+$0x580]  }
0x97: {  	v55 =	vld [tilespmem:s17+$0x590]  }
0x98: {  	v5 =	vld.idx.msk [tilespmem:v5+s6+$0x0], $0xffff  }
0x99: {  	v11 =	vld.idx.msk [tilespmem:v1+s6+$0x0], $0xffff  }
0x9a: {  	v56 =	vld [tilespmem:s17+$0x5A0]  }
0x9b: {  	v3 =	vld.idx.msk [tilespmem:v3+s6+$0x0], $0xffff  }
0x9c: {  	v6 =	vld.idx.msk [tilespmem:v6+s6+$0x0], $0xffff  }
0x9d: {  	v7 =	vld.idx.msk [tilespmem:v7+s6+$0x0], $0xffff  }
0x9e: {  	v5 =	vmul.f32 v8, v5;
	v8 =	vld [tilespmem:s17+$0x84A0];
	v10 =	vmul.f32 v10, v11  }
0x9f: {  	v11 =	vld [tilespmem:s17+$0x8490]  }
0xa0: {  	[tilespmem:s17+$0x10430] =	vst v10;
	v10 =	vld [tilespmem:s17+$0x4B0]  }
0xa1: {  	v12 =	vld.idx.msk [tilespmem:v47+s6+$0x0], $0xffff  }
0xa2: {  	v6 =	vmul.f32 v9, v6;
	v9 =	vld [tilespmem:s17+$0x480]  }
0xa3: {  	[tilespmem:s17+$0x10400] =	vst v5;
	v5 =	vld [tilespmem:s17+$0x490];
	v7 =	vmul.f32 v13, v7  }
0xa4: {  	[tilespmem:s17+$0x10410] =	vst v6;
	v6 =	vld.idx.msk [tilespmem:v14+s6+$0x0], $0xffff  }
0xa5: {  	[tilespmem:s17+$0x10420] =	vst v7;
	v7 =	vld [tilespmem:s17+$0x85B0]  }
0xa6: {  	v8 =	vld.idx.msk [tilespmem:v8+s6+$0x0], $0xffff;
	v10 =	vmul.f32 v10, v12  }
0xa7: {  	v3 =	vmul.f32 v4, v3;
	v11 =	vld.idx.msk [tilespmem:v11+s6+$0x0], $0xffff  }
0xa8: {  	[tilespmem:s17+$0x104B0] =	vst v10;
	v10 =	vld [tilespmem:s17+$0x530]  }
0xa9: {  	s16 =	sor.u32 $0x300, s0;
	[tilespmem:s24+$0x10400] =	vst v3;
	v49 =	vld.idx.msk [tilespmem:v15+s6+$0x0], $0xffff  }
0xaa: {  	s7 =	sor.u32 $0x300, s9;
	v3 =	vld [tilespmem:s16+$0x8400]  }
0xab: {  	v4 =	vld [tilespmem:s7+$0x8400];
	v6 =	vmul.f32 v9, v6  }
0xac: {  	v59 =	vld [tilespmem:s7+$0x400];
	v5 =	vmul.f32 v5, v11  }
0xad: {  	[tilespmem:s17+$0x10480] =	vst v6;
	v6 =	vmul.f32 v48, v8;
	v11 =	vld [tilespmem:s17+$0x8580]  }
0xae: {  	[tilespmem:s17+$0x10490] =	vst v5;
	v5 =	vld.idx.msk [tilespmem:v50+s6+$0x0], $0xffff;
	v10 =	vmul.f32 v10, v49  }
0xaf: {  	[tilespmem:s17+$0x104A0] =	vst v6;
	v6 =	vld.idx.msk [tilespmem:v51+s6+$0x0], $0xffff  }
0xb0: {  	v8 =	vld [tilespmem:s17+$0x5B0];
	[tilespmem:s17+$0x10530] =	vst v10  }
0xb1: {  	s30 =	sor.u32 $0x300, s8;
	[tilespmem:s11+$0x10400] =	vst v2;
	v7 =	vld.idx.msk [tilespmem:v7+s6+$0x0], $0xffff  }
0xb2: {  	v2 =	vld [tilespmem:s30+$0x8400]  }
0xb3: {  	s1 =	simm.s32 $0x1;
	p1 =	por !p1, !p1;
	v9 =	vld [tilespmem:s17+$0x520];
	v5 =	vmul.f32 v17, v5  }
0xb4: {  	s1 =	simm.s32 @!p1 $0x0;
	s14 =	sor.u32 $0x380, s21;
	[tilespmem:s26+$0x10400] =	vst v0;
	v10 =	vld.idx.msk [tilespmem:v16+s6+$0x0], $0xffff;
	v6 =	vmul.f32 v52, v6  }
0xb5: {  	s1 =	sshll.u32 s1, $0x6;
	v0 =	vld [tilespmem:s14+$0x8400];
	[tilespmem:s17+$0x10500] =	vst v5  }
0xb6: {  	s18 =	sadd.s32 $0x200, s1;
	[tilespmem:s17+$0x10510] =	vst v6;
	v6 =	vld.idx.msk [tilespmem:v11+s6+$0x0], $0xffff;
	v7 =	vmul.f32 v8, v7  }
0xb7: {  	s15 =	sadd.s32 $0x30, s18;
	v8 =	vld [tilespmem:s17+$0x85A0]  }
0xb8: {  	s21 =	sor.u32 $0x200, s15;
	v3 =	vld.idx.msk [tilespmem:v3+s6+$0x0], $0xffff;
	[tilespmem:s17+$0x105B0] =	vst v7  }
0xb9: {  	v5 =	vmul.f32 v9, v10;
	v7 =	vld [tilespmem:s21+$0x8400]  }
0xba: {  	v4 =	vld.idx.msk [tilespmem:v4+s6+$0x0], $0xffff  }
0xbb: {  	[tilespmem:s17+$0x10520] =	vst v5;
	v5 =	vld.idx.msk [tilespmem:v53+s6+$0x0], $0xffff;
	v6 =	vmul.f32 v54, v6  }
0xbc: {  	v1 =	vld [tilespmem:s14+$0x400]  }
0xbd: {  	s19 =	sor.u32 $0x200, s18;
	v10 =	vld [tilespmem:s16+$0x400];
	[tilespmem:s17+$0x10580] =	vst v6  }
0xbe: {  	v11 =	vld [tilespmem:s19+$0x8400]  }
0xbf: {  	v8 =	vld.idx.msk [tilespmem:v8+s6+$0x0], $0xffff  }
0xc0: {  	v9 =	vld [tilespmem:s21+$0x400];
	v5 =	vmul.f32 v55, v5  }
0xc1: {  	s1 =	sadd.s32 $0x10, s18;
	v7 =	vld.idx.msk [tilespmem:v7+s6+$0x0], $0xffff  }
0xc2: {  	s20 =	sor.u32 $0x200, s1;
	v2 =	vld.idx.msk [tilespmem:v2+s6+$0x0], $0xffff;
	[tilespmem:s17+$0x10590] =	vst v5  }
0xc3: {  	v5 =	vld [tilespmem:s20+$0x8400]  }
0xc4: {  	v0 =	vld.idx.msk [tilespmem:v0+s6+$0x0], $0xffff;
	v6 =	vmul.f32 v56, v8  }
0xc5: {  	s22 =	sadd.s32 $0x20, s18;
	v8 =	vld [tilespmem:s30+$0x400]  }
0xc6: {  	s23 =	sor.u32 $0x200, s22;
	v3 =	vmul.f32 v10, v3;
	[tilespmem:s17+$0x105A0] =	vst v6;
	v10 =	vld.idx.msk [tilespmem:v11+s6+$0x0], $0xffff;
	v6 =	vmul.f32 v9, v7  }
0xc7: {  	v7 =	vld [tilespmem:s23+$0x8400]  }
0xc8: {  	s24 =	sor.u32 $0x280, s15;
	v9 =	vld [tilespmem:s19+$0x400];
	[tilespmem:s21+$0x10400] =	vst v6  }
0xc9: {  	v6 =	vld [tilespmem:s24+$0x8400]  }
0xca: {  	v57 =	vld [tilespmem:s20+$0x400]  }
0xcb: {  	v5 =	vld.idx.msk [tilespmem:v5+s6+$0x0], $0xffff;
	v2 =	vmul.f32 v8, v2  }
0xcc: {  	[tilespmem:s16+$0x10400] =	vst v3;
	v58 =	vld [tilespmem:s23+$0x400]  }
0xcd: {  	v4 =	vmul.f32 v59, v4;
	s16 =	sor.u32 $0x380, s8;
	[tilespmem:s30+$0x10400] =	vst v2;
	v2 =	vld [tilespmem:s24+$0x400]  }
0xce: {  	v8 =	vmul.f32 v9, v10;
	v9 =	vld [tilespmem:s16+$0x8400]  }
0xcf: {  	[tilespmem:s7+$0x10400] =	vst v4;
	s17 =	sor.u32 $0x380, s9;
	v3 =	vld.idx.msk [tilespmem:v7+s6+$0x0], $0xffff  }
0xd0: {  	v4 =	vmul.f32 v57, v5;
	v5 =	vld [tilespmem:s17+$0x8400]  }
0xd1: {  	s26 =	sor.u32 $0x380, s0;
	v6 =	vld.idx.msk [tilespmem:v6+s6+$0x0], $0xffff  }
0xd2: {  	[tilespmem:s19+$0x10400] =	vst v8;
	v8 =	vld [tilespmem:s26+$0x400]  }
0xd3: {  	s30 =	sor.u32 $0x280, s18;
	v7 =	vld [tilespmem:s26+$0x8400]  }
0xd4: {  	s4 =	sor.u32 $0x280, s1;
	v10 =	vld [tilespmem:s30+$0x8400];
	[tilespmem:s20+$0x10400] =	vst v4;
	v3 =	vmul.f32 v58, v3  }
0xd5: {  	v4 =	vld [tilespmem:s4+$0x8400]  }
0xd6: {  	s29 =	sor.u32 $0x280, s22;
	v11 =	vld [tilespmem:s4+$0x400];
	[tilespmem:s23+$0x10400] =	vst v3;
	v2 =	vmul.f32 v2, v6  }
0xd7: {  	v3 =	vld [tilespmem:s29+$0x8400]  }
0xd8: {  	s13 =	sor.u32 $0x300, s15;
	v6 =	vld [tilespmem:s30+$0x400];
	[tilespmem:s24+$0x10400] =	vst v2  }
0xd9: {  	v2 =	vld [tilespmem:s13+$0x8400]  }
0xda: {  	v60 =	vld [tilespmem:s29+$0x400]  }
0xdb: {  	v61 =	vld.idx.msk [tilespmem:v7+s6+$0x0], $0xffff  }
0xdc: {  	v10 =	vld.idx.msk [tilespmem:v10+s6+$0x0], $0xffff  }
0xdd: {  	v62 =	vld.idx.msk [tilespmem:v4+s6+$0x0], $0xffff  }
0xde: {  	v4 =	vld.idx.msk [tilespmem:v5+s6+$0x0], $0xffff  }
0xdf: {  	v1 =	vmul.f32 v1, v0;
	v63 =	vld.idx.msk [tilespmem:v3+s6+$0x0], $0xffff  }
0xe0: {  	v7 =	vld [tilespmem:s13+$0x400]  }
0xe1: {  	[tilespmem:s14+$0x10400] =	vst v1;
	v1 =	vmul.f32 v6, v10;
	v0 =	vld.idx.msk [tilespmem:v2+s6+$0x0], $0xffff  }
0xe2: {  	s28 =	sor.u32 $0x380, s1;
	v5 =	vld [tilespmem:s16+$0x400];
	v2 =	vmul.f32 v8, v61  }
0xe3: {  	s10 =	sor.u32 $0x300, s1;
	s11 =	sor.u32 $0x300, s18;
	s0 =	sshll.u32 s31, $0x11;
	[tilespmem:s30+$0x10400] =	vst v1;
	v1 =	vmul.f32 v11, v62;
	v3 =	vld.idx.msk [tilespmem:v9+s6+$0x0], $0xffff  }
0xe4: {  	s8 =	sor.u32 $0x380, s18;
	s9 =	sor.u32 $0x300, s22;
	s20 =	sor.u32 $0x380, s22;
	v6 =	vld [tilespmem:s17+$0x400];
	[tilespmem:s26+$0x10400] =	vst v2;
	v8 =	vmul.f32 v60, v63  }
.LBB2_3:
0xe5: {  	s5 =	sadd.s32 $0x40, s5;
	v2 =	vld [tilespmem:s11+$0x8400];
	[tilespmem:s4+$0x10400] =	vst v1;
	s3 =	sadd.s32 $0x200, s3  }
0xe6: {  	s1 =	sand.u32 $0x40, s5;
	s2 =	sand.u32 $0x3C00, s3;
	v1 =	vld [tilespmem:s10+$0x8400];
	[tilespmem:s29+$0x10400] =	vst v8;
	v7 =	vmul.f32 v7, v0  }
0xe7: {  	p2 =	slt.u32 s5, $0x7C0;
	s30 =	sor.u32 s1, s2;
	v0 =	vld [tilespmem:s9+$0x8400]  }
0xe8: {  	s1 =	sor.u32 $0x380, s15;
	v8 =	vld [tilespmem:s30+$0x8430];
	[tilespmem:s13+$0x10400] =	vst v7;
	v3 =	vmul.f32 v5, v3  }
0xe9: {  	v5 =	vld [tilespmem:s1+$0x8400];
	v4 =	vmul.f32 v6, v4  }
0xea: {  	v6 =	vld [tilespmem:s30+$0x8400];
	[tilespmem:s16+$0x10400] =	vst v3;
	s16 =	smov.u32 s28  }
0xeb: {  	v3 =	vld [tilespmem:s30+$0x8410];
	[tilespmem:s17+$0x10400] =	vst v4;
	s17 =	smov.u32 s20  }
0xec: {  	v4 =	vld [tilespmem:s30+$0x8420]  }
0xed: {  	v7 =	vld [tilespmem:s30+$0x400]  }
0xee: {  	v9 =	vld [tilespmem:s30+$0x410]  }
0xef: {  	v10 =	vld [tilespmem:s30+$0x430]  }
0xf0: {  	v8 =	vld.idx.msk [tilespmem:v8+s6+$0x0], $0xffff  }
0xf1: {  	v5 =	vld.idx.msk [tilespmem:v5+s6+$0x0], $0xffff  }
0xf2: {  	v11 =	vld [tilespmem:s1+$0x400]  }
0xf3: {  	v12 =	vld [tilespmem:s30+$0x84B0]  }
0xf4: {  	v6 =	vld.idx.msk [tilespmem:v6+s6+$0x0], $0xffff  }
0xf5: {  	v3 =	vld.idx.msk [tilespmem:v3+s6+$0x0], $0xffff  }
0xf6: {  	v4 =	vld.idx.msk [tilespmem:v4+s6+$0x0], $0xffff  }
0xf7: {  	v13 =	vld [tilespmem:s30+$0x420];
	v5 =	vmul.f32 v11, v5  }
0xf8: {  	v8 =	vmul.f32 v10, v8;
	v11 =	vld [tilespmem:s30+$0x8480]  }
0xf9: {  	v10 =	vld [tilespmem:s30+$0x8490];
	[tilespmem:s1+$0x10400] =	vst v5  }
0xfa: {  	v5 =	vmul.f32 v7, v6;
	[tilespmem:s30+$0x10430] =	vst v8;
	v6 =	vld [tilespmem:s30+$0x4B0]  }
0xfb: {  	v3 =	vmul.f32 v9, v3;
	v7 =	vld.idx.msk [tilespmem:v12+s6+$0x0], $0xffff  }
0xfc: {  	[tilespmem:s30+$0x10400] =	vst v5;
	v4 =	vmul.f32 v13, v4;
	v5 =	vld [tilespmem:s30+$0x8530]  }
0xfd: {  	[tilespmem:s30+$0x10410] =	vst v3;
	v3 =	vld [tilespmem:s30+$0x84A0]  }
0xfe: {  	v8 =	vld [tilespmem:s30+$0x480];
	[tilespmem:s30+$0x10420] =	vst v4  }
0xff: {  	v4 =	vld [tilespmem:s30+$0x490]  }
0x100: {  	v9 =	vld.idx.msk [tilespmem:v11+s6+$0x0], $0xffff  }
0x101: {  	v6 =	vmul.f32 v6, v7;
	v10 =	vld.idx.msk [tilespmem:v10+s6+$0x0], $0xffff  }
0x102: {  	v7 =	vld [tilespmem:s30+$0x4A0]  }
0x103: {  	[tilespmem:s30+$0x104B0] =	vst v6;
	v6 =	vld [tilespmem:s30+$0x530]  }
0x104: {  	v5 =	vld.idx.msk [tilespmem:v5+s6+$0x0], $0xffff  }
0x105: {  	v11 =	vld [tilespmem:s30+$0x85B0]  }
0x106: {  	v8 =	vmul.f32 v8, v9;
	v3 =	vld.idx.msk [tilespmem:v3+s6+$0x0], $0xffff  }
0x107: {  	v4 =	vmul.f32 v4, v10;
	v9 =	vld [tilespmem:s30+$0x8500]  }
0x108: {  	[tilespmem:s30+$0x10480] =	vst v8;
	v8 =	vld [tilespmem:s30+$0x8510]  }
0x109: {  	[tilespmem:s30+$0x10490] =	vst v4;
	v4 =	vld [tilespmem:s30+$0x8520]  }
0x10a: {  	v5 =	vmul.f32 v6, v5;
	v10 =	vld [tilespmem:s30+$0x500]  }
0x10b: {  	v6 =	vld [tilespmem:s30+$0x510]  }
0x10c: {  	v3 =	vmul.f32 v7, v3;
	v7 =	vld [tilespmem:s30+$0x520];
	[tilespmem:s30+$0x10530] =	vst v5  }
0x10d: {  	v5 =	vld.idx.msk [tilespmem:v11+s6+$0x0], $0xffff  }
0x10e: {  	[tilespmem:s30+$0x104A0] =	vst v3;
	v3 =	vld [tilespmem:s30+$0x5B0]  }
0x10f: {  	v9 =	vld.idx.msk [tilespmem:v9+s6+$0x0], $0xffff  }
0x110: {  	p1 =	por !p1, !p1;
	s1 =	simm.s32 $0x1;
	v8 =	vld.idx.msk [tilespmem:v8+s6+$0x0], $0xffff  }
0x111: {  	s1 =	simm.s32 @!p1 $0x0;
	v4 =	vld.idx.msk [tilespmem:v4+s6+$0x0], $0xffff  }
0x112: {  	s1 =	sshll.u32 s1, $0x6;
	v11 =	vld [tilespmem:s30+$0x8580]  }
0x113: {  	s2 =	sadd.s32 s1, s3;
	v12 =	vld [tilespmem:s30+$0x8590];
	v3 =	vmul.f32 v3, v5  }
0x114: {  	s19 =	sadd.s32 $0x10, s2;
	s20 =	sadd.s32 $0x20, s2;
	s15 =	sadd.s32 $0x30, s2;
	v5 =	vld [tilespmem:s30+$0x85A0]  }
0x115: {  	s26 =	sor.u32 $0x200, s19;
	s23 =	sor.u32 $0x200, s20;
	s12 =	sor.u32 $0x200, s15;
	v9 =	vmul.f32 v10, v9;
	v10 =	vld [tilespmem:s30+$0x580];
	[tilespmem:s30+$0x105B0] =	vst v3  }
0x116: {  	s13 =	sor.u32 $0x200, s2;
	s4 =	sor.u32 $0x280, s19;
	s29 =	sor.u32 $0x280, s20;
	v3 =	vmul.f32 v6, v8;
	v6 =	vld [tilespmem:s12+$0x8400]  }
0x117: {  	s18 =	sor.u32 $0x280, s2;
	s7 =	sor.u32 $0x300, s19;
	s1 =	sor.u32 $0x300, s20;
	v4 =	vmul.f32 v7, v4;
	[tilespmem:s30+$0x10500] =	vst v9;
	v8 =	vld [tilespmem:s30+$0x590]  }
0x118: {  	s14 =	sor.u32 $0x300, s2;
	s28 =	sor.u32 $0x380, s19;
	s20 =	sor.u32 $0x380, s20;
	[tilespmem:s30+$0x10510] =	vst v3;
	v3 =	vld [tilespmem:s30+$0x5A0]  }
0x119: {  	s19 =	sor.u32 $0x380, s2;
	[tilespmem:s30+$0x10520] =	vst v4;
	v2 =	vld.idx.msk [tilespmem:v2+s6+$0x0], $0xffff  }
0x11a: {  	v4 =	vld.idx.msk [tilespmem:v11+s6+$0x0], $0xffff  }
0x11b: {  	v7 =	vld.idx.msk [tilespmem:v12+s6+$0x0], $0xffff  }
0x11c: {  	v5 =	vld.idx.msk [tilespmem:v5+s6+$0x0], $0xffff  }
0x11d: {  	v1 =	vld.idx.msk [tilespmem:v1+s6+$0x0], $0xffff  }
0x11e: {  	v6 =	vld.idx.msk [tilespmem:v6+s6+$0x0], $0xffff  }
0x11f: {  	v9 =	vld [tilespmem:s12+$0x400]  }
0x120: {  	v4 =	vmul.f32 v10, v4;
	v0 =	vld.idx.msk [tilespmem:v0+s6+$0x0], $0xffff  }
0x121: {  	v7 =	vmul.f32 v8, v7;
	v8 =	vld [tilespmem:s11+$0x400]  }
0x122: {  	v3 =	vmul.f32 v3, v5;
	[tilespmem:s30+$0x10580] =	vst v4;
	v4 =	vld [tilespmem:s10+$0x400]  }
0x123: {  	v5 =	vld [tilespmem:s13+$0x8400];
	[tilespmem:s30+$0x10590] =	vst v7  }
0x124: {  	v7 =	vld [tilespmem:s26+$0x8400];
	[tilespmem:s30+$0x105A0] =	vst v3;
	v3 =	vmul.f32 v9, v6  }
0x125: {  	v6 =	vld [tilespmem:s23+$0x8400]  }
0x126: {  	s2 =	sor.u32 $0x280, s15;
	v9 =	vld [tilespmem:s13+$0x400];
	[tilespmem:s12+$0x10400] =	vst v3;
	v2 =	vmul.f32 v8, v2  }
0x127: {  	v3 =	vld [tilespmem:s2+$0x8400];
	v1 =	vmul.f32 v4, v1  }
0x128: {  	v4 =	vld [tilespmem:s26+$0x400];
	[tilespmem:s11+$0x10400] =	vst v2;
	s11 =	smov.u32 s14  }
0x129: {  	v2 =	vld [tilespmem:s23+$0x400];
	[tilespmem:s10+$0x10400] =	vst v1;
	s10 =	smov.u32 s7  }
0x12a: {  	v1 =	vld [tilespmem:s9+$0x400]  }
0x12b: {  	v5 =	vld.idx.msk [tilespmem:v5+s6+$0x0], $0xffff  }
0x12c: {  	v7 =	vld.idx.msk [tilespmem:v7+s6+$0x0], $0xffff  }
0x12d: {  	v6 =	vld.idx.msk [tilespmem:v6+s6+$0x0], $0xffff  }
0x12e: {  	v8 =	vld [tilespmem:s8+$0x8400]  }
0x12f: {  	v3 =	vld.idx.msk [tilespmem:v3+s6+$0x0], $0xffff;
	v0 =	vmul.f32 v1, v0  }
0x130: {  	v1 =	vld [tilespmem:s2+$0x400]  }
0x131: {  	v5 =	vmul.f32 v9, v5;
	v9 =	vld [tilespmem:s16+$0x8400];
	[tilespmem:s9+$0x10400] =	vst v0;
	s9 =	smov.u32 s1  }
0x132: {  	v0 =	vmul.f32 v4, v7;
	v4 =	vld [tilespmem:s17+$0x8400]  }
0x133: {  	v2 =	vmul.f32 v2, v6;
	[tilespmem:s13+$0x10400] =	vst v5;
	v5 =	vld [tilespmem:s8+$0x400]  }
0x134: {  	v6 =	vld [tilespmem:s18+$0x8400];
	[tilespmem:s26+$0x10400] =	vst v0  }
0x135: {  	v0 =	vld [tilespmem:s4+$0x8400];
	[tilespmem:s23+$0x10400] =	vst v2;
	v1 =	vmul.f32 v1, v3  }
0x136: {  	v2 =	vld [tilespmem:s29+$0x8400]  }
0x137: {  	s13 =	sor.u32 $0x300, s15;
	v10 =	vld [tilespmem:s18+$0x400];
	[tilespmem:s2+$0x10400] =	vst v1  }
0x138: {  	v1 =	vld [tilespmem:s13+$0x8400]  }
0x139: {  	v11 =	vld [tilespmem:s4+$0x400]  }
0x13a: {  	v12 =	vld [tilespmem:s29+$0x400]  }
0x13b: {  	v8 =	vld.idx.msk [tilespmem:v8+s6+$0x0], $0xffff  }
0x13c: {  	v6 =	vld.idx.msk [tilespmem:v6+s6+$0x0], $0xffff  }
0x13d: {  	v13 =	vld.idx.msk [tilespmem:v0+s6+$0x0], $0xffff  }
0x13e: {  	v2 =	vld.idx.msk [tilespmem:v2+s6+$0x0], $0xffff  }
0x13f: {  	v3 =	vld.idx.msk [tilespmem:v9+s6+$0x0], $0xffff  }
.Ltmp2:
0x140: {  	v0 =	vld.idx.msk [tilespmem:v1+s6+$0x0], $0xffff;
	(pc) =	sbr.rel @p2 .LBB2_3-.Ltmp2, $4  }
0x141: {  	v5 =	vmul.f32 v5, v8;
	v7 =	vld [tilespmem:s13+$0x400]  }
0x142: {  	v6 =	vmul.f32 v10, v6;
	v4 =	vld.idx.msk [tilespmem:v4+s6+$0x0], $0xffff  }
0x143: {  	v1 =	vmul.f32 v11, v13;
	[tilespmem:s8+$0x10400] =	vst v5;
	v5 =	vld [tilespmem:s16+$0x400];
	s8 =	smov.u32 s19  }
0x144: {  	v8 =	vmul.f32 v12, v2;
	[tilespmem:s18+$0x10400] =	vst v6;
	v6 =	vld [tilespmem:s17+$0x400]  }
0x145: {  	v2 =	vld [tilespmem:s11+$0x8400];
	[tilespmem:s4+$0x10400] =	vst v1  }
0x146: {  	v1 =	vld [tilespmem:s10+$0x8400];
	_ =	sdelay $0x1  }
0x147: {  	[tilespmem:s29+$0x10400] =	vst v8  }
0x148: {  	v8 =	vld [tilespmem:s9+$0x8400];
	_ =	sdelay $0x1  }
0x149: {  	v9 =	vld [tilespmem:s11+$0x400]  }
0x14a: {  	v10 =	vld [tilespmem:s10+$0x400]  }
0x14b: {  	v0 =	vmul.f32 v7, v0;
	v2 =	vld.idx.msk [tilespmem:v2+s6+$0x0], $0xffff  }
0x14c: {  	v1 =	vld.idx.msk [tilespmem:v1+s6+$0x0], $0xffff  }
0x14d: {  	s1 =	sor.u32 $0x380, s15;
	v7 =	vld [tilespmem:s9+$0x400];
	[tilespmem:s13+$0x10400] =	vst v0  }
0x14e: {  	v0 =	vld [tilespmem:s1+$0x8400]  }
0x14f: {  	v8 =	vld.idx.msk [tilespmem:v8+s6+$0x0], $0xffff  }
0x150: {  	v2 =	vmul.f32 v9, v2  }
0x151: {  	v1 =	vmul.f32 v10, v1  }
0x152: {  	[tilespmem:s11+$0x10400] =	vst v2  }
0x153: {  	[tilespmem:s10+$0x10400] =	vst v1;
	v1 =	vld [tilespmem:s8+$0x8400]  }
0x154: {  	v2 =	vmul.f32 v7, v8;
	v7 =	vld [tilespmem:s28+$0x8400];
	_ =	sdelay $0x1  }
0x155: {  	v0 =	vld.idx.msk [tilespmem:v0+s6+$0x0], $0xffff;
	[tilespmem:s9+$0x10400] =	vst v2  }
0x156: {  	v2 =	vld [tilespmem:s20+$0x8400]  }
0x157: {  	v8 =	vld [tilespmem:s1+$0x400]  }
0x158: {  	v9 =	vld [tilespmem:s8+$0x400]  }
0x159: {  	v10 =	vld [tilespmem:s28+$0x400]  }
0x15a: {  	v1 =	vld.idx.msk [tilespmem:v1+s6+$0x0], $0xffff  }
0x15b: {  	v7 =	vld.idx.msk [tilespmem:v7+s6+$0x0], $0xffff  }
0x15c: {  	v3 =	vmul.f32 v5, v3  }
0x15d: {  	v4 =	vmul.f32 v6, v4;
	v5 =	vld [tilespmem:s20+$0x400]  }
0x15e: {  	[tilespmem:s16+$0x10400] =	vst v3;
	v0 =	vmul.f32 v8, v0;
	v2 =	vld.idx.msk [tilespmem:v2+s6+$0x0], $0xffff  }
0x15f: {  	[tilespmem:s17+$0x10400] =	vst v4;
	v1 =	vmul.f32 v9, v1  }
0x160: {  	[tilespmem:s1+$0x10400] =	vst v0;
	v0 =	vmul.f32 v10, v7  }
0x161: {  	[tilespmem:s8+$0x10400] =	vst v1  }
0x162: {  	[tilespmem:s28+$0x10400] =	vst v0  }
0x163: {  	v1 =	vmul.f32 v5, v2;
	s1 =	rddreg [dreg:$0x5]  }
0x164: {  	s11 =	rddreg [dreg:$0x3];
	s5 =	sor.u32 s1, s0  }
0x165: {  	s2 =	simm.s32 $0x10400;
	[tilespmem:s20+$0x10400] =	vst v1;
	s1 =	sadd.s32 s11, s5  }
0x166: {  	[hbm4b:s1+s6] =	stream.linear.scatter [tilespmem:s2], [sflag:$0x5], $0x4000, $0x38;
	[tilespmem:$0x18400] =	vst v63  }
0x167: {  	p1 =	seq.s32 s31, $0x1F;
	s1 =	rddreg [dreg:$0xa]  }
0x168: {  	s2 =	rddreg [dreg:$0x0];
	s1 =	sadd.s32 @!p1 s1, s0  }
0x169: {  	s3 =	simm.s32 @!p1 $0x0;
	s4 =	simm.s32 @!p1 $0x400;
	s2 =	sadd.s32 @!p1 s2, s1  }
0x16a: {  	[tilespmem:s4], [sflag:$0x1] =	stream.linear.gather @!p1 [hbm4b:s2+s3], $0x4000, $0x38;
	[tilespmem:$0x18400] =	vst v63  }
0x16b: {  	s2 =	rddreg [dreg:$0x1]  }
0x16c: {  	s12 =	simm.s32 $0x2;
	s1 =	sadd.s32 @!p1 s2, s1;
	s2 =	simm.s32 @!p1 $0x8400  }
0x16d: {  	[tilespmem:s2], [sflag:$0x3] =	stream.linear.gather @!p1 [hbm4b:s1+s3], $0x4000, $0x38;
	[tilespmem:$0x18400] =	vst v63  }
0x16e: {  	_ =	swait.ge [sflag:s12], $0x4000  }
0x16f: {  	[sflag:s12] =	ssyncset.done $0x0  }
0x170: {  	[sflag:s12] =	ssyncadd.s32 $0xFFFFC000  }
0x171: {  	_ =	swait.ge [sflag:s25], $0x4000  }
0x172: {  	[sflag:s25] =	ssyncset.done $0x0  }
0x173: {  	s1 =	simm.s32 @!p0 $0x6;
	[sflag:s25] =	ssyncadd.s32 $0xFFFFC000  }
0x174: {  	s14 =	simm.s32 $0x0;
	s13 =	simm.s32 $0x0;
	_ =	swait.ge @!p0 [sflag:s1], $0x4000  }
0x175: {  	s3 =	sand.u32 $0x40, s14;
	s2 =	sand.u32 $0x3C00, s13;
	[sflag:s1] =	ssyncset.done @!p0 $0x0  }
0x176: {  	s3 =	sor.u32 s3, s2;
	[sflag:s1] =	ssyncadd.s32 @!p0 $0xFFFFC000  }
0x177: {  	v0 =	vld [tilespmem:s3+$0xC430]  }
0x178: {  	v1 =	vld [tilespmem:s3+$0xC400]  }
0x179: {  	v2 =	vld [tilespmem:s3+$0xC410]  }
0x17a: {  	v3 =	vld [tilespmem:s3+$0xC420]  }
0x17b: {  	v4 =	vld [tilespmem:s3+$0x4400]  }
0x17c: {  	v5 =	vld [tilespmem:s3+$0x4430]  }
0x17d: {  	v6 =	vld [tilespmem:s3+$0xC4B0]  }
0x17e: {  	v7 =	vld [tilespmem:s3+$0x4410]  }
0x17f: {  	v8 =	vld [tilespmem:s3+$0xC480]  }
0x180: {  	v9 =	vld [tilespmem:s3+$0xC530]  }
0x181: {  	v10 =	vld [tilespmem:s3+$0x4420]  }
0x182: {  	v0 =	vld.idx.msk [tilespmem:v0+s6+$0x0], $0xffff  }
0x183: {  	v11 =	vld [tilespmem:s3+$0xC520]  }
0x184: {  	v12 =	vld [tilespmem:s3+$0x4510]  }
0x185: {  	v1 =	vld.idx.msk [tilespmem:v1+s6+$0x0], $0xffff  }
0x186: {  	v2 =	vld.idx.msk [tilespmem:v2+s6+$0x0], $0xffff  }
0x187: {  	v3 =	vld.idx.msk [tilespmem:v3+s6+$0x0], $0xffff;
	v0 =	vmul.f32 v5, v0  }
0x188: {  	v5 =	vld [tilespmem:s3+$0xC490]  }
0x189: {  	[tilespmem:s3+$0x14430] =	vst v0;
	v0 =	vld [tilespmem:s3+$0x44B0]  }
0x18a: {  	v6 =	vld.idx.msk [tilespmem:v6+s6+$0x0], $0xffff  }
0x18b: {  	v1 =	vmul.f32 v4, v1;
	v4 =	vld [tilespmem:s3+$0xC4A0]  }
0x18c: {  	v2 =	vmul.f32 v7, v2;
	v7 =	vld [tilespmem:s3+$0x4480]  }
0x18d: {  	[tilespmem:s3+$0x14400] =	vst v1;
	v1 =	vld [tilespmem:s3+$0x4490]  }
0x18e: {  	[tilespmem:s3+$0x14410] =	vst v2;
	v2 =	vld.idx.msk [tilespmem:v8+s6+$0x0], $0xffff  }
0x18f: {  	v8 =	vld [tilespmem:s3+$0xC5B0];
	v0 =	vmul.f32 v0, v6  }
0x190: {  	v5 =	vld.idx.msk [tilespmem:v5+s6+$0x0], $0xffff  }
0x191: {  	[tilespmem:s3+$0x144B0] =	vst v0;
	v0 =	vld [tilespmem:s3+$0x4530]  }
0x192: {  	v3 =	vmul.f32 v10, v3;
	v6 =	vld.idx.msk [tilespmem:v9+s6+$0x0], $0xffff  }
0x193: {  	v10 =	vld [tilespmem:s3+$0xC510]  }
0x194: {  	[tilespmem:s3+$0x14420] =	vst v3;
	v3 =	vld [tilespmem:s3+$0x44A0]  }
0x195: {  	v9 =	vld [tilespmem:s3+$0xC500]  }
0x196: {  	v4 =	vld.idx.msk [tilespmem:v4+s6+$0x0], $0xffff  }
0x197: {  	v1 =	vmul.f32 v1, v5;
	v5 =	vld [tilespmem:s3+$0x45B0];
	v0 =	vmul.f32 v0, v6  }
0x198: {  	v6 =	vld [tilespmem:s3+$0x4500]  }
0x199: {  	[tilespmem:s3+$0x14530] =	vst v0;
	v0 =	vmul.f32 v7, v2;
	v7 =	vld [tilespmem:s3+$0xC580]  }
0x19a: {  	v2 =	vld.idx.msk [tilespmem:v8+s6+$0x0], $0xffff  }
0x19b: {  	v8 =	vld [tilespmem:s3+$0xC5A0]  }
0x19c: {  	[tilespmem:s3+$0x14480] =	vst v0;
	v0 =	vmul.f32 v3, v4;
	v3 =	vld [tilespmem:s3+$0x4520]  }
0x19d: {  	p0 =	por $0x0, $0x0;
	s1 =	simm.s32 $0x1;
	[tilespmem:s3+$0x14490] =	vst v1;
	v1 =	vld.idx.msk [tilespmem:v9+s6+$0x0], $0xffff  }
0x19e: {  	s1 =	simm.s32 @!p0 $0x0;
	[tilespmem:s3+$0x144A0] =	vst v0;
	v0 =	vld.idx.msk [tilespmem:v10+s6+$0x0], $0xffff  }
0x19f: {  	s1 =	sshll.u32 s1, $0x6;
	v4 =	vld.idx.msk [tilespmem:v11+s6+$0x0], $0xffff  }
0x1a0: {  	s8 =	sadd.s32 $0x0, s1;
	v2 =	vmul.f32 v5, v2  }
0x1a1: {  	s1 =	sadd.s32 $0x30, s8;
	v5 =	vld [tilespmem:s3+$0xC590]  }
0x1a2: {  	s15 =	sor.u32 $0x200, s1;
	[tilespmem:s3+$0x145B0] =	vst v2;
	v1 =	vmul.f32 v6, v1  }
0x1a3: {  	v2 =	vld [tilespmem:s15+$0xC400];
	v0 =	vmul.f32 v12, v0  }
0x1a4: {  	v6 =	vld [tilespmem:s3+$0x4580];
	[tilespmem:s3+$0x14500] =	vst v1;
	v1 =	vmul.f32 v3, v4  }
0x1a5: {  	[tilespmem:s3+$0x14510] =	vst v0;
	v0 =	vld.idx.msk [tilespmem:v7+s6+$0x0], $0xffff  }
0x1a6: {  	v3 =	vld [tilespmem:s3+$0x45A0];
	[tilespmem:s3+$0x14520] =	vst v1  }
0x1a7: {  	v4 =	vld.idx.msk [tilespmem:v8+s6+$0x0], $0xffff  }
0x1a8: {  	v9 =	vld [tilespmem:s3+$0x4590]  }
0x1a9: {  	v1 =	vld.idx.msk [tilespmem:v5+s6+$0x0], $0xffff  }
0x1aa: {  	v5 =	vld [tilespmem:s15+$0x4400];
	v0 =	vmul.f32 v6, v0  }
0x1ab: {  	v2 =	vld.idx.msk [tilespmem:v2+s6+$0x0], $0xffff  }
0x1ac: {  	s16 =	sor.u32 $0x200, s8;
	[tilespmem:s3+$0x14580] =	vst v0;
	v0 =	vmul.f32 v3, v4  }
0x1ad: {  	s10 =	sadd.s32 $0x20, s8;
	v3 =	vld [tilespmem:s16+$0xC400]  }
0x1ae: {  	s17 =	sor.u32 $0x200, s10;
	v1 =	vmul.f32 v9, v1;
	[tilespmem:s3+$0x145A0] =	vst v0  }
0x1af: {  	s9 =	sadd.s32 $0x10, s8;
	v0 =	vld [tilespmem:s17+$0xC400]  }
0x1b0: {  	s7 =	sor.u32 $0x200, s9;
	[tilespmem:s3+$0x14590] =	vst v1;
	v1 =	vmul.f32 v5, v2  }
0x1b1: {  	v2 =	vld [tilespmem:s7+$0xC400]  }
0x1b2: {  	s18 =	sor.u32 $0x280, s1;
	[tilespmem:s15+$0x14400] =	vst v1  }
0x1b3: {  	v1 =	vld [tilespmem:s18+$0xC400]  }
0x1b4: {  	v4 =	vld [tilespmem:s16+$0x4400]  }
0x1b5: {  	v3 =	vld.idx.msk [tilespmem:v3+s6+$0x0], $0xffff  }
0x1b6: {  	v6 =	vld [tilespmem:s17+$0x4400]  }
0x1b7: {  	v0 =	vld.idx.msk [tilespmem:v0+s6+$0x0], $0xffff  }
0x1b8: {  	v5 =	vld [tilespmem:s7+$0x4400]  }
0x1b9: {  	v2 =	vld.idx.msk [tilespmem:v2+s6+$0x0], $0xffff  }
0x1ba: {  	v7 =	vld [tilespmem:s18+$0x4400];
	v3 =	vmul.f32 v4, v3  }
0x1bb: {  	v1 =	vld.idx.msk [tilespmem:v1+s6+$0x0], $0xffff  }
0x1bc: {  	s19 =	sor.u32 $0x280, s8;
	[tilespmem:s16+$0x14400] =	vst v3;
	v0 =	vmul.f32 v6, v0  }
0x1bd: {  	v3 =	vld [tilespmem:s19+$0xC400]  }
0x1be: {  	s21 =	sor.u32 $0x280, s10;
	v2 =	vmul.f32 v5, v2;
	v4 =	vld [tilespmem:s19+$0x4400];
	[tilespmem:s17+$0x14400] =	vst v0  }
0x1bf: {  	v0 =	vld [tilespmem:s21+$0xC400]  }
0x1c0: {  	s20 =	sor.u32 $0x280, s9;
	[tilespmem:s7+$0x14400] =	vst v2;
	v6 =	vld [tilespmem:s21+$0x4400];
	v1 =	vmul.f32 v7, v1  }
0x1c1: {  	v2 =	vld [tilespmem:s20+$0xC400]  }
0x1c2: {  	s22 =	sor.u32 $0x300, s1;
	s3 =	simm.s32 $0x40;
	s16 =	simm.s32 $0x200;
	v5 =	vld [tilespmem:s20+$0x4400];
	[tilespmem:s18+$0x14400] =	vst v1  }
0x1c3: {  	s26 =	sand.u32 $0x40, s3;
	s12 =	sand.u32 $0x3C00, s16;
	v1 =	vld [tilespmem:s22+$0xC400]  }
0x1c4: {  	s18 =	sor.u32 s26, s12;
	v7 =	vld [tilespmem:s22+$0x4400]  }
0x1c5: {  	v8 =	vld [tilespmem:s18+$0x4400]  }
0x1c6: {  	v9 =	vld [tilespmem:s18+$0x4410]  }
0x1c7: {  	v10 =	vld [tilespmem:s18+$0x4430]  }
0x1c8: {  	v47 =	vld [tilespmem:s18+$0xC4B0]  }
0x1c9: {  	v13 =	vld [tilespmem:s18+$0x4420]  }
0x1ca: {  	v14 =	vld [tilespmem:s18+$0xC480]  }
0x1cb: {  	v15 =	vld [tilespmem:s18+$0xC530]  }
0x1cc: {  	v48 =	vld [tilespmem:s18+$0x44A0]  }
0x1cd: {  	v50 =	vld [tilespmem:s18+$0xC500]  }
0x1ce: {  	v0 =	vld.idx.msk [tilespmem:v0+s6+$0x0], $0xffff  }
0x1cf: {  	v2 =	vld.idx.msk [tilespmem:v2+s6+$0x0], $0xffff  }
0x1d0: {  	v1 =	vld.idx.msk [tilespmem:v1+s6+$0x0], $0xffff  }
0x1d1: {  	v51 =	vld [tilespmem:s18+$0xC510]  }
0x1d2: {  	v16 =	vld [tilespmem:s18+$0xC520]  }
0x1d3: {  	v17 =	vld [tilespmem:s18+$0x4500];
	v0 =	vmul.f32 v6, v0  }
0x1d4: {  	v2 =	vmul.f32 v5, v2;
	v5 =	vld [tilespmem:s18+$0xC400]  }
0x1d5: {  	[tilespmem:s21+$0x14400] =	vst v0;
	v0 =	vmul.f32 v7, v1;
	v1 =	vld [tilespmem:s18+$0xC430]  }
0x1d6: {  	v52 =	vld [tilespmem:s18+$0x4510]  }
0x1d7: {  	v53 =	vld [tilespmem:s18+$0xC590]  }
0x1d8: {  	v6 =	vld [tilespmem:s18+$0xC410]  }
0x1d9: {  	v7 =	vld [tilespmem:s18+$0xC420]  }
0x1da: {  	v54 =	vld [tilespmem:s18+$0x4580]  }
0x1db: {  	v55 =	vld [tilespmem:s18+$0x4590]  }
0x1dc: {  	v5 =	vld.idx.msk [tilespmem:v5+s6+$0x0], $0xffff  }
0x1dd: {  	v11 =	vld.idx.msk [tilespmem:v1+s6+$0x0], $0xffff  }
0x1de: {  	v56 =	vld [tilespmem:s18+$0x45A0]  }
0x1df: {  	v3 =	vld.idx.msk [tilespmem:v3+s6+$0x0], $0xffff  }
0x1e0: {  	v6 =	vld.idx.msk [tilespmem:v6+s6+$0x0], $0xffff  }
0x1e1: {  	v7 =	vld.idx.msk [tilespmem:v7+s6+$0x0], $0xffff  }
0x1e2: {  	v5 =	vmul.f32 v8, v5;
	v8 =	vld [tilespmem:s18+$0xC4A0];
	v10 =	vmul.f32 v10, v11  }
0x1e3: {  	v11 =	vld [tilespmem:s18+$0xC490]  }
0x1e4: {  	[tilespmem:s18+$0x14430] =	vst v10;
	v10 =	vld [tilespmem:s18+$0x44B0]  }
0x1e5: {  	v12 =	vld.idx.msk [tilespmem:v47+s6+$0x0], $0xffff  }
0x1e6: {  	v6 =	vmul.f32 v9, v6;
	v9 =	vld [tilespmem:s18+$0x4480]  }
0x1e7: {  	[tilespmem:s18+$0x14400] =	vst v5;
	v5 =	vld [tilespmem:s18+$0x4490];
	v7 =	vmul.f32 v13, v7  }
0x1e8: {  	[tilespmem:s18+$0x14410] =	vst v6;
	v6 =	vld.idx.msk [tilespmem:v14+s6+$0x0], $0xffff  }
0x1e9: {  	[tilespmem:s18+$0x14420] =	vst v7;
	v7 =	vld [tilespmem:s18+$0xC5B0]  }
0x1ea: {  	v8 =	vld.idx.msk [tilespmem:v8+s6+$0x0], $0xffff;
	v10 =	vmul.f32 v10, v12  }
0x1eb: {  	v3 =	vmul.f32 v4, v3;
	v11 =	vld.idx.msk [tilespmem:v11+s6+$0x0], $0xffff  }
0x1ec: {  	[tilespmem:s18+$0x144B0] =	vst v10;
	v10 =	vld [tilespmem:s18+$0x4530]  }
0x1ed: {  	s23 =	sor.u32 $0x300, s8;
	[tilespmem:s19+$0x14400] =	vst v3;
	v49 =	vld.idx.msk [tilespmem:v15+s6+$0x0], $0xffff  }
0x1ee: {  	s11 =	sor.u32 $0x300, s10;
	v3 =	vld [tilespmem:s23+$0xC400]  }
0x1ef: {  	v4 =	vld [tilespmem:s11+$0xC400];
	v6 =	vmul.f32 v9, v6  }
0x1f0: {  	v59 =	vld [tilespmem:s11+$0x4400];
	v5 =	vmul.f32 v5, v11  }
0x1f1: {  	[tilespmem:s18+$0x14480] =	vst v6;
	v6 =	vmul.f32 v48, v8;
	v11 =	vld [tilespmem:s18+$0xC580]  }
0x1f2: {  	[tilespmem:s18+$0x14490] =	vst v5;
	v5 =	vld.idx.msk [tilespmem:v50+s6+$0x0], $0xffff;
	v10 =	vmul.f32 v10, v49  }
0x1f3: {  	[tilespmem:s18+$0x144A0] =	vst v6;
	v6 =	vld.idx.msk [tilespmem:v51+s6+$0x0], $0xffff  }
0x1f4: {  	v8 =	vld [tilespmem:s18+$0x45B0];
	[tilespmem:s18+$0x14530] =	vst v10  }
0x1f5: {  	s15 =	sor.u32 $0x300, s9;
	[tilespmem:s20+$0x14400] =	vst v2;
	v7 =	vld.idx.msk [tilespmem:v7+s6+$0x0], $0xffff  }
0x1f6: {  	v2 =	vld [tilespmem:s15+$0xC400]  }
0x1f7: {  	p0 =	por !p0, !p0;
	s2 =	sor.u32 $0x380, s1;
	s1 =	simm.s32 $0x1;
	v9 =	vld [tilespmem:s18+$0x4520];
	v5 =	vmul.f32 v17, v5  }
0x1f8: {  	s1 =	simm.s32 @!p0 $0x0;
	[tilespmem:s22+$0x14400] =	vst v0;
	v10 =	vld.idx.msk [tilespmem:v16+s6+$0x0], $0xffff;
	v6 =	vmul.f32 v52, v6  }
0x1f9: {  	s1 =	sshll.u32 s1, $0x6;
	v0 =	vld [tilespmem:s2+$0xC400];
	[tilespmem:s18+$0x14500] =	vst v5  }
0x1fa: {  	s19 =	sadd.s32 $0x200, s1;
	[tilespmem:s18+$0x14510] =	vst v6;
	v6 =	vld.idx.msk [tilespmem:v11+s6+$0x0], $0xffff;
	v7 =	vmul.f32 v8, v7  }
0x1fb: {  	s20 =	sadd.s32 $0x30, s19;
	v8 =	vld [tilespmem:s18+$0xC5A0]  }
0x1fc: {  	s12 =	sor.u32 $0x200, s20;
	v3 =	vld.idx.msk [tilespmem:v3+s6+$0x0], $0xffff;
	[tilespmem:s18+$0x145B0] =	vst v7  }
0x1fd: {  	v5 =	vmul.f32 v9, v10;
	v7 =	vld [tilespmem:s12+$0xC400]  }
0x1fe: {  	v4 =	vld.idx.msk [tilespmem:v4+s6+$0x0], $0xffff  }
0x1ff: {  	[tilespmem:s18+$0x14520] =	vst v5;
	v5 =	vld.idx.msk [tilespmem:v53+s6+$0x0], $0xffff;
	v6 =	vmul.f32 v54, v6  }
0x200: {  	v1 =	vld [tilespmem:s2+$0x4400]  }
0x201: {  	s13 =	sor.u32 $0x200, s19;
	v10 =	vld [tilespmem:s23+$0x4400];
	[tilespmem:s18+$0x14580] =	vst v6  }
0x202: {  	v11 =	vld [tilespmem:s13+$0xC400]  }
0x203: {  	v8 =	vld.idx.msk [tilespmem:v8+s6+$0x0], $0xffff  }
0x204: {  	v9 =	vld [tilespmem:s12+$0x4400];
	v5 =	vmul.f32 v55, v5  }
0x205: {  	s1 =	sadd.s32 $0x10, s19;
	v7 =	vld.idx.msk [tilespmem:v7+s6+$0x0], $0xffff  }
0x206: {  	s22 =	sor.u32 $0x200, s1;
	v2 =	vld.idx.msk [tilespmem:v2+s6+$0x0], $0xffff;
	[tilespmem:s18+$0x14590] =	vst v5  }
0x207: {  	v5 =	vld [tilespmem:s22+$0xC400]  }
0x208: {  	v0 =	vld.idx.msk [tilespmem:v0+s6+$0x0], $0xffff;
	v6 =	vmul.f32 v56, v8  }
0x209: {  	s21 =	sadd.s32 $0x20, s19;
	v8 =	vld [tilespmem:s15+$0x4400]  }
0x20a: {  	s14 =	sor.u32 $0x200, s21;
	v3 =	vmul.f32 v10, v3;
	[tilespmem:s18+$0x145A0] =	vst v6;
	v10 =	vld.idx.msk [tilespmem:v11+s6+$0x0], $0xffff;
	v6 =	vmul.f32 v9, v7  }
0x20b: {  	v7 =	vld [tilespmem:s14+$0xC400]  }
0x20c: {  	s24 =	sor.u32 $0x280, s20;
	v9 =	vld [tilespmem:s13+$0x4400];
	[tilespmem:s12+$0x14400] =	vst v6  }
0x20d: {  	v6 =	vld [tilespmem:s24+$0xC400]  }
0x20e: {  	v57 =	vld [tilespmem:s22+$0x4400]  }
0x20f: {  	v5 =	vld.idx.msk [tilespmem:v5+s6+$0x0], $0xffff;
	v2 =	vmul.f32 v8, v2  }
0x210: {  	v4 =	vmul.f32 v59, v4;
	v58 =	vld [tilespmem:s14+$0x4400]  }
0x211: {  	s17 =	sor.u32 $0x380, s9;
	[tilespmem:s15+$0x14400] =	vst v2;
	v2 =	vld [tilespmem:s24+$0x4400]  }
0x212: {  	[tilespmem:s11+$0x14400] =	vst v4;
	v8 =	vmul.f32 v9, v10;
	v9 =	vld [tilespmem:s17+$0xC400]  }
0x213: {  	[tilespmem:s23+$0x14400] =	vst v3;
	s23 =	sor.u32 $0x380, s8;
	s8 =	sor.u32 $0x380, s10;
	v3 =	vld.idx.msk [tilespmem:v7+s6+$0x0], $0xffff  }
0x214: {  	v4 =	vmul.f32 v57, v5;
	v5 =	vld [tilespmem:s8+$0xC400]  }
0x215: {  	v6 =	vld.idx.msk [tilespmem:v6+s6+$0x0], $0xffff  }
0x216: {  	[tilespmem:s13+$0x14400] =	vst v8;
	v8 =	vld [tilespmem:s23+$0x4400]  }
0x217: {  	s26 =	sor.u32 $0x280, s19;
	v7 =	vld [tilespmem:s23+$0xC400]  }
0x218: {  	s18 =	sor.u32 $0x280, s1;
	v10 =	vld [tilespmem:s26+$0xC400];
	[tilespmem:s22+$0x14400] =	vst v4;
	v3 =	vmul.f32 v58, v3  }
0x219: {  	v4 =	vld [tilespmem:s18+$0xC400]  }
0x21a: {  	s30 =	sor.u32 $0x280, s21;
	v11 =	vld [tilespmem:s18+$0x4400];
	[tilespmem:s14+$0x14400] =	vst v3;
	v2 =	vmul.f32 v2, v6  }
0x21b: {  	v3 =	vld [tilespmem:s30+$0xC400]  }
0x21c: {  	s13 =	sor.u32 $0x300, s20;
	v6 =	vld [tilespmem:s26+$0x4400];
	[tilespmem:s24+$0x14400] =	vst v2  }
0x21d: {  	v2 =	vld [tilespmem:s13+$0xC400]  }
0x21e: {  	v60 =	vld [tilespmem:s30+$0x4400]  }
0x21f: {  	v61 =	vld.idx.msk [tilespmem:v7+s6+$0x0], $0xffff  }
0x220: {  	v10 =	vld.idx.msk [tilespmem:v10+s6+$0x0], $0xffff  }
0x221: {  	v62 =	vld.idx.msk [tilespmem:v4+s6+$0x0], $0xffff  }
0x222: {  	v4 =	vld.idx.msk [tilespmem:v5+s6+$0x0], $0xffff  }
0x223: {  	v1 =	vmul.f32 v1, v0;
	v63 =	vld.idx.msk [tilespmem:v3+s6+$0x0], $0xffff  }
0x224: {  	v7 =	vld [tilespmem:s13+$0x4400]  }
0x225: {  	[tilespmem:s2+$0x14400] =	vst v1;
	v1 =	vmul.f32 v6, v10;
	v0 =	vld.idx.msk [tilespmem:v2+s6+$0x0], $0xffff  }
0x226: {  	v5 =	vld [tilespmem:s17+$0x4400];
	v2 =	vmul.f32 v8, v61  }
0x227: {  	s9 =	sor.u32 $0x380, s19;
	s29 =	sor.u32 $0x380, s1;
	s28 =	sor.u32 $0x380, s21;
	[tilespmem:s26+$0x14400] =	vst v1;
	v1 =	vmul.f32 v11, v62;
	v3 =	vld.idx.msk [tilespmem:v9+s6+$0x0], $0xffff  }
0x228: {  	s11 =	sor.u32 $0x300, s1;
	s10 =	sor.u32 $0x300, s21;
	s15 =	sor.u32 $0x300, s19;
	v6 =	vld [tilespmem:s8+$0x4400];
	[tilespmem:s23+$0x14400] =	vst v2;
	v8 =	vmul.f32 v60, v63  }
.LBB2_5:
0x229: {  	s3 =	sadd.s32 $0x40, s3;
	v2 =	vld [tilespmem:s15+$0xC400];
	[tilespmem:s18+$0x14400] =	vst v1;
	s16 =	sadd.s32 $0x200, s16  }
0x22a: {  	s1 =	sand.u32 $0x40, s3;
	s2 =	sand.u32 $0x3C00, s16;
	v1 =	vld [tilespmem:s11+$0xC400];
	[tilespmem:s30+$0x14400] =	vst v8;
	v7 =	vmul.f32 v7, v0  }
0x22b: {  	p2 =	slt.u32 s3, $0x7C0;
	s4 =	sor.u32 s1, s2;
	v0 =	vld [tilespmem:s10+$0xC400]  }
0x22c: {  	s1 =	sor.u32 $0x380, s20;
	v8 =	vld [tilespmem:s4+$0xC430];
	[tilespmem:s13+$0x14400] =	vst v7;
	v3 =	vmul.f32 v5, v3  }
0x22d: {  	v5 =	vld [tilespmem:s1+$0xC400];
	v4 =	vmul.f32 v6, v4  }
0x22e: {  	v6 =	vld [tilespmem:s4+$0xC400];
	[tilespmem:s17+$0x14400] =	vst v3;
	s17 =	smov.u32 s29  }
0x22f: {  	v3 =	vld [tilespmem:s4+$0xC410];
	[tilespmem:s8+$0x14400] =	vst v4;
	s8 =	smov.u32 s28  }
0x230: {  	v4 =	vld [tilespmem:s4+$0xC420]  }
0x231: {  	v7 =	vld [tilespmem:s4+$0x4400]  }
0x232: {  	v9 =	vld [tilespmem:s4+$0x4410]  }
0x233: {  	v10 =	vld [tilespmem:s4+$0x4430]  }
0x234: {  	v8 =	vld.idx.msk [tilespmem:v8+s6+$0x0], $0xffff  }
0x235: {  	v5 =	vld.idx.msk [tilespmem:v5+s6+$0x0], $0xffff  }
0x236: {  	v11 =	vld [tilespmem:s1+$0x4400]  }
0x237: {  	v12 =	vld [tilespmem:s4+$0xC4B0]  }
0x238: {  	v6 =	vld.idx.msk [tilespmem:v6+s6+$0x0], $0xffff  }
0x239: {  	v3 =	vld.idx.msk [tilespmem:v3+s6+$0x0], $0xffff  }
0x23a: {  	v4 =	vld.idx.msk [tilespmem:v4+s6+$0x0], $0xffff  }
0x23b: {  	v13 =	vld [tilespmem:s4+$0x4420];
	v5 =	vmul.f32 v11, v5  }
0x23c: {  	v8 =	vmul.f32 v10, v8;
	v11 =	vld [tilespmem:s4+$0xC480]  }
0x23d: {  	v10 =	vld [tilespmem:s4+$0xC490];
	[tilespmem:s1+$0x14400] =	vst v5  }
0x23e: {  	v5 =	vmul.f32 v7, v6;
	[tilespmem:s4+$0x14430] =	vst v8;
	v6 =	vld [tilespmem:s4+$0x44B0]  }
0x23f: {  	v3 =	vmul.f32 v9, v3;
	v7 =	vld.idx.msk [tilespmem:v12+s6+$0x0], $0xffff  }
0x240: {  	[tilespmem:s4+$0x14400] =	vst v5;
	v4 =	vmul.f32 v13, v4;
	v5 =	vld [tilespmem:s4+$0xC530]  }
0x241: {  	[tilespmem:s4+$0x14410] =	vst v3;
	v3 =	vld [tilespmem:s4+$0xC4A0]  }
0x242: {  	v8 =	vld [tilespmem:s4+$0x4480];
	[tilespmem:s4+$0x14420] =	vst v4  }
0x243: {  	v4 =	vld [tilespmem:s4+$0x4490]  }
0x244: {  	v9 =	vld.idx.msk [tilespmem:v11+s6+$0x0], $0xffff  }
0x245: {  	v6 =	vmul.f32 v6, v7;
	v10 =	vld.idx.msk [tilespmem:v10+s6+$0x0], $0xffff  }
0x246: {  	v7 =	vld [tilespmem:s4+$0x44A0]  }
0x247: {  	[tilespmem:s4+$0x144B0] =	vst v6;
	v6 =	vld [tilespmem:s4+$0x4530]  }
0x248: {  	v5 =	vld.idx.msk [tilespmem:v5+s6+$0x0], $0xffff  }
0x249: {  	v11 =	vld [tilespmem:s4+$0xC5B0]  }
0x24a: {  	v8 =	vmul.f32 v8, v9;
	v3 =	vld.idx.msk [tilespmem:v3+s6+$0x0], $0xffff  }
0x24b: {  	v4 =	vmul.f32 v4, v10;
	v9 =	vld [tilespmem:s4+$0xC500]  }
0x24c: {  	[tilespmem:s4+$0x14480] =	vst v8;
	v8 =	vld [tilespmem:s4+$0xC510]  }
0x24d: {  	[tilespmem:s4+$0x14490] =	vst v4;
	v4 =	vld [tilespmem:s4+$0xC520]  }
0x24e: {  	v5 =	vmul.f32 v6, v5;
	v10 =	vld [tilespmem:s4+$0x4500]  }
0x24f: {  	v6 =	vld [tilespmem:s4+$0x4510]  }
0x250: {  	v3 =	vmul.f32 v7, v3;
	v7 =	vld [tilespmem:s4+$0x4520];
	[tilespmem:s4+$0x14530] =	vst v5  }
0x251: {  	v5 =	vld.idx.msk [tilespmem:v11+s6+$0x0], $0xffff  }
0x252: {  	[tilespmem:s4+$0x144A0] =	vst v3;
	v3 =	vld [tilespmem:s4+$0x45B0]  }
0x253: {  	v9 =	vld.idx.msk [tilespmem:v9+s6+$0x0], $0xffff  }
0x254: {  	p0 =	por !p0, !p0;
	s1 =	simm.s32 $0x1;
	v8 =	vld.idx.msk [tilespmem:v8+s6+$0x0], $0xffff  }
0x255: {  	s1 =	simm.s32 @!p0 $0x0;
	v4 =	vld.idx.msk [tilespmem:v4+s6+$0x0], $0xffff  }
0x256: {  	s1 =	sshll.u32 s1, $0x6;
	v11 =	vld [tilespmem:s4+$0xC580]  }
0x257: {  	s7 =	sadd.s32 s1, s16;
	v12 =	vld [tilespmem:s4+$0xC590];
	v3 =	vmul.f32 v3, v5  }
0x258: {  	s12 =	sadd.s32 $0x10, s7;
	s14 =	sadd.s32 $0x20, s7;
	s20 =	sadd.s32 $0x30, s7;
	v5 =	vld [tilespmem:s4+$0xC5A0]  }
0x259: {  	s13 =	sor.u32 $0x200, s12;
	s26 =	sor.u32 $0x200, s14;
	s21 =	sor.u32 $0x200, s20;
	v9 =	vmul.f32 v10, v9;
	v10 =	vld [tilespmem:s4+$0x4580];
	[tilespmem:s4+$0x145B0] =	vst v3  }
0x25a: {  	s1 =	sor.u32 $0x200, s7;
	s18 =	sor.u32 $0x280, s12;
	s30 =	sor.u32 $0x280, s14;
	v3 =	vmul.f32 v6, v8;
	v6 =	vld [tilespmem:s21+$0xC400]  }
0x25b: {  	s19 =	sor.u32 $0x280, s7;
	s22 =	sor.u32 $0x300, s12;
	s2 =	sor.u32 $0x300, s14;
	v4 =	vmul.f32 v7, v4;
	[tilespmem:s4+$0x14500] =	vst v9;
	v8 =	vld [tilespmem:s4+$0x4590]  }
0x25c: {  	s24 =	sor.u32 $0x300, s7;
	s29 =	sor.u32 $0x380, s12;
	s28 =	sor.u32 $0x380, s14;
	[tilespmem:s4+$0x14510] =	vst v3;
	v3 =	vld [tilespmem:s4+$0x45A0]  }
0x25d: {  	s23 =	sor.u32 $0x380, s7;
	[tilespmem:s4+$0x14520] =	vst v4;
	v2 =	vld.idx.msk [tilespmem:v2+s6+$0x0], $0xffff  }
0x25e: {  	v4 =	vld.idx.msk [tilespmem:v11+s6+$0x0], $0xffff  }
0x25f: {  	v7 =	vld.idx.msk [tilespmem:v12+s6+$0x0], $0xffff  }
0x260: {  	v5 =	vld.idx.msk [tilespmem:v5+s6+$0x0], $0xffff  }
0x261: {  	v1 =	vld.idx.msk [tilespmem:v1+s6+$0x0], $0xffff  }
0x262: {  	v6 =	vld.idx.msk [tilespmem:v6+s6+$0x0], $0xffff  }
0x263: {  	v9 =	vld [tilespmem:s21+$0x4400]  }
0x264: {  	v4 =	vmul.f32 v10, v4;
	v0 =	vld.idx.msk [tilespmem:v0+s6+$0x0], $0xffff  }
0x265: {  	v7 =	vmul.f32 v8, v7;
	v8 =	vld [tilespmem:s15+$0x4400]  }
0x266: {  	v3 =	vmul.f32 v3, v5;
	[tilespmem:s4+$0x14580] =	vst v4;
	v4 =	vld [tilespmem:s11+$0x4400]  }
0x267: {  	v5 =	vld [tilespmem:s1+$0xC400];
	[tilespmem:s4+$0x14590] =	vst v7  }
0x268: {  	v7 =	vld [tilespmem:s13+$0xC400];
	[tilespmem:s4+$0x145A0] =	vst v3;
	v3 =	vmul.f32 v9, v6  }
0x269: {  	v6 =	vld [tilespmem:s26+$0xC400]  }
0x26a: {  	s4 =	sor.u32 $0x280, s20;
	v9 =	vld [tilespmem:s1+$0x4400];
	[tilespmem:s21+$0x14400] =	vst v3;
	v2 =	vmul.f32 v8, v2  }
0x26b: {  	v3 =	vld [tilespmem:s4+$0xC400];
	v1 =	vmul.f32 v4, v1  }
0x26c: {  	v4 =	vld [tilespmem:s13+$0x4400];
	[tilespmem:s15+$0x14400] =	vst v2;
	s15 =	smov.u32 s24  }
0x26d: {  	v2 =	vld [tilespmem:s26+$0x4400];
	[tilespmem:s11+$0x14400] =	vst v1;
	s11 =	smov.u32 s22  }
0x26e: {  	v1 =	vld [tilespmem:s10+$0x4400]  }
0x26f: {  	v5 =	vld.idx.msk [tilespmem:v5+s6+$0x0], $0xffff  }
0x270: {  	v7 =	vld.idx.msk [tilespmem:v7+s6+$0x0], $0xffff  }
0x271: {  	v6 =	vld.idx.msk [tilespmem:v6+s6+$0x0], $0xffff  }
0x272: {  	v8 =	vld [tilespmem:s9+$0xC400]  }
0x273: {  	v3 =	vld.idx.msk [tilespmem:v3+s6+$0x0], $0xffff;
	v0 =	vmul.f32 v1, v0  }
0x274: {  	v1 =	vld [tilespmem:s4+$0x4400]  }
0x275: {  	v5 =	vmul.f32 v9, v5;
	v9 =	vld [tilespmem:s17+$0xC400];
	[tilespmem:s10+$0x14400] =	vst v0;
	s10 =	smov.u32 s2  }
0x276: {  	v0 =	vmul.f32 v4, v7;
	v4 =	vld [tilespmem:s8+$0xC400]  }
0x277: {  	v2 =	vmul.f32 v2, v6;
	[tilespmem:s1+$0x14400] =	vst v5;
	v5 =	vld [tilespmem:s9+$0x4400]  }
0x278: {  	v6 =	vld [tilespmem:s19+$0xC400];
	[tilespmem:s13+$0x14400] =	vst v0  }
0x279: {  	v0 =	vld [tilespmem:s18+$0xC400];
	[tilespmem:s26+$0x14400] =	vst v2;
	v1 =	vmul.f32 v1, v3  }
0x27a: {  	v2 =	vld [tilespmem:s30+$0xC400]  }
0x27b: {  	s13 =	sor.u32 $0x300, s20;
	v10 =	vld [tilespmem:s19+$0x4400];
	[tilespmem:s4+$0x14400] =	vst v1  }
0x27c: {  	v1 =	vld [tilespmem:s13+$0xC400]  }
0x27d: {  	v11 =	vld [tilespmem:s18+$0x4400]  }
0x27e: {  	v12 =	vld [tilespmem:s30+$0x4400]  }
0x27f: {  	v8 =	vld.idx.msk [tilespmem:v8+s6+$0x0], $0xffff  }
0x280: {  	v6 =	vld.idx.msk [tilespmem:v6+s6+$0x0], $0xffff  }
0x281: {  	v13 =	vld.idx.msk [tilespmem:v0+s6+$0x0], $0xffff  }
0x282: {  	v2 =	vld.idx.msk [tilespmem:v2+s6+$0x0], $0xffff  }
0x283: {  	v3 =	vld.idx.msk [tilespmem:v9+s6+$0x0], $0xffff  }
.Ltmp3:
0x284: {  	v0 =	vld.idx.msk [tilespmem:v1+s6+$0x0], $0xffff;
	(pc) =	sbr.rel @p2 .LBB2_5-.Ltmp3, $4  }
0x285: {  	v5 =	vmul.f32 v5, v8;
	v7 =	vld [tilespmem:s13+$0x4400]  }
0x286: {  	v6 =	vmul.f32 v10, v6;
	v4 =	vld.idx.msk [tilespmem:v4+s6+$0x0], $0xffff  }
0x287: {  	v1 =	vmul.f32 v11, v13;
	[tilespmem:s9+$0x14400] =	vst v5;
	v5 =	vld [tilespmem:s17+$0x4400];
	s9 =	smov.u32 s23  }
0x288: {  	v8 =	vmul.f32 v12, v2;
	[tilespmem:s19+$0x14400] =	vst v6;
	v6 =	vld [tilespmem:s8+$0x4400]  }
0x289: {  	v2 =	vld [tilespmem:s15+$0xC400];
	[tilespmem:s18+$0x14400] =	vst v1  }
0x28a: {  	v1 =	vld [tilespmem:s11+$0xC400];
	[tilespmem:s30+$0x14400] =	vst v8  }
0x28b: {  	v8 =	vld [tilespmem:s10+$0xC400];
	_ =	sdelay $0x2  }
0x28c: {  	v9 =	vld [tilespmem:s15+$0x4400]  }
0x28d: {  	v10 =	vld [tilespmem:s11+$0x4400]  }
0x28e: {  	v54 =	vld [tilespmem:s10+$0x4400]  }
0x28f: {  	v2 =	vld.idx.msk [tilespmem:v2+s6+$0x0], $0xffff  }
0x290: {  	v0 =	vmul.f32 v7, v0;
	v1 =	vld.idx.msk [tilespmem:v1+s6+$0x0], $0xffff  }
0x291: {  	v8 =	vld.idx.msk [tilespmem:v8+s6+$0x0], $0xffff  }
0x292: {  	s1 =	sor.u32 $0x380, s20;
	[tilespmem:s13+$0x14400] =	vst v0  }
0x293: {  	v0 =	vld [tilespmem:s1+$0xC400]  }
0x294: {  	v2 =	vmul.f32 v9, v2  }
0x295: {  	v1 =	vmul.f32 v10, v1  }
0x296: {  	[tilespmem:s15+$0x14400] =	vst v2;
	v55 =	vmul.f32 v54, v8  }
0x297: {  	[tilespmem:s11+$0x14400] =	vst v1;
	v56 =	vld [tilespmem:s9+$0xC400]  }
0x298: {  	v57 =	vld [tilespmem:s29+$0xC400];
	[tilespmem:s10+$0x14400] =	vst v55  }
0x299: {  	v2 =	vld [tilespmem:s28+$0xC400]  }
0x29a: {  	v58 =	vld [tilespmem:s1+$0x4400]  }
0x29b: {  	v0 =	vld.idx.msk [tilespmem:v0+s6+$0x0], $0xffff  }
0x29c: {  	v59 =	vld [tilespmem:s9+$0x4400]  }
0x29d: {  	v60 =	vld [tilespmem:s29+$0x4400]  }
0x29e: {  	v61 =	vld [tilespmem:s28+$0x4400]  }
0x29f: {  	v1 =	vld.idx.msk [tilespmem:v56+s6+$0x0], $0xffff  }
0x2a0: {  	v7 =	vld.idx.msk [tilespmem:v57+s6+$0x0], $0xffff  }
0x2a1: {  	v3 =	vmul.f32 v5, v3;
	v2 =	vld.idx.msk [tilespmem:v2+s6+$0x0], $0xffff  }
0x2a2: {  	v4 =	vmul.f32 v6, v4  }
0x2a3: {  	[tilespmem:s17+$0x14400] =	vst v3;
	v0 =	vmul.f32 v58, v0  }
0x2a4: {  	[tilespmem:s8+$0x14400] =	vst v4;
	v1 =	vmul.f32 v59, v1  }
0x2a5: {  	[tilespmem:s1+$0x14400] =	vst v0;
	v62 =	vmul.f32 v60, v7  }
0x2a6: {  	[tilespmem:s9+$0x14400] =	vst v1;
	v63 =	vmul.f32 v61, v2  }
.Ltmp4:
0x2a7: {  	[tilespmem:s29+$0x14400] =	vst v62;
	(pc) =	sbr.rel @p1 .LBB2_8-.Ltmp4, $4  }
0x2a8: {  	[tilespmem:s28+$0x14400] =	vst v63  }
0x2a9: {  	s1 =	rddreg [dreg:$0xc]  }
0x2aa: {  	s2 =	simm.s32 $0x14400;
	s1 =	sadd.s32 s5, s1  }
0x2ab: {  	[hbm4b:s1+s6] =	stream.linear.scatter [tilespmem:s2], [sflag:$0x6], $0x4000, $0x38;
	[tilespmem:$0x18400] =	vst v63  }
0x2ac: {  	s1 =	rddreg [dreg:$0xb]  }
.Ltmp5:
0x2ad: {  	s28 =	rddreg [dreg:$0x0];
	s0 =	sadd.s32 s1, s0;
	(pc) =	sbr.rel .LBB2_2-.Ltmp5, $4  }
0x2ae: {  	s2 =	simm.s32 $0x4400;
	s29 =	rddreg [dreg:$0x1];
	s1 =	sadd.s32 s28, s0  }
0x2af: {  	[tilespmem:s2], [sflag:$0x2] =	stream.linear.gather [hbm4b:s1+s6], $0x4000, $0x38;
	[tilespmem:$0x18400] =	vst v63  }
0x2b0: {  	s30 =	simm.s32 $0xC400;
	s31 =	sadd.s32 $0x1, s31;
	s0 =	sadd.s32 s29, s0  }
0x2b1: {  	[tilespmem:s30], [sflag:$0x4] =	stream.linear.gather [hbm4b:s0+s6], $0x4000, $0x38;
	[tilespmem:$0x18400] =	vst v63  }
.LBB2_9:
0x2b2: {  	_ =	sfence.sel $0x180000  }
0x2b3: {  	[bflag:$0x0] =	sbarrier.arrive $0xFFFF  }
0x2b4: {  	_ =	strace $0x90000047  }
0x2b5: {  	s0 =	stileid.u32;
	[bflag:$0x2] =	sbarrier.arrive $0xFFFF  }
0x2b6: {  	p0 =	sne.s32 s0, $0x0;
	s0 =	rddreg [dreg:$0x4]  }
0x2b7: {  	s0 =	sadd.s32 @!p0 $0x100000, s0  }
0x2b8: {  	[sflag:s0] =	ssyncadd.tile.s32 @!p0 $0x1;
	_ =	shalt  }
.Lfunc_end2:
_tile_overlayer_lowered:
.L_overlay_start_2:
0x2b9: {  	(tag) =	ssettag $0x2  }
0x2ba: {  	s0 =	rddreg [dreg:$0x0];
	s2 =	stileid.u32  }
0x2bb: {  	s1 =	rddreg [dreg:$0x1];
	p0 =	sne.s32 s2, $0x0  }
0x2bc: {  	s3 =	rddreg [dreg:$0x2];
	[bflag:$0x3] =	sbarrier.arrive $0xFFFF;
	s2 =	simm.s32 @!p0 $0x1C07  }
0x2bd: {  	[timem:s3], [sflag:s2] =	dma.local @!p0 [hbm:s0], s1  }
0x2be: {  	s0 =	simm.s32 @!p0 $0x7  }
0x2bf: {  	_ =	swait.ge @!p0 [sflag:s0], s1  }
0x2c0: {  	s1 =	ssub.s32 @!p0 $0x0, s1;
	[sflag:s0] =	ssyncset.done @!p0 $0x0  }
0x2c1: {  	[sflag:s0] =	ssyncadd.s32 @!p0 s1  }
0x2c2: {  	[bflag:$0x3] =	sbarrier.arrive $0xFFFF  }
0x2c3: {  	_ =	shalt  }

</sc_bundles>
